<compile_context>
chip_gen: v7x
topology: tpu7x:2x2x1
jax: 0.10.2.dev20260603
libtpu: 0.0.44.dev20260713+nightly
codegen_flags: <defaults>
</compile_context>

<pallas_src>
import jax
import jax.numpy as jnp
from jax import lax
from jax.experimental import pallas as pl
from jax.experimental.pallas import tpu as pltpu
from jax.experimental.pallas import tpu_sc as plsc

B, S, D = 4, 2048, 512
P = 16
MAXLEN = 127
WIN = 144
HALF = D // 2
LANES = 16
NHALF = HALF // LANES
SC_B = 3


def _sc_body(batch_hbm, len_hbm, out_hbm, len2d, len_v, buf, outbuf,
             out_sh, sem0, sem1):
  c_ax = lax.axis_index("c")
  s_ax = lax.axis_index("s")
  p_local = s_ax // 2
  p = c_ax * 8 + p_local
  half = s_ax % 2
  hoff = half * HALF

  pltpu.sync_copy(len_hbm, len2d)
  len_v[pl.ds(0, P)] = len2d[SC_B, pl.ds(0, P)]
  len_v[pl.ds(P, P)] = jnp.zeros((P,), jnp.int32)

  def lane0(j):
    return len_v[pl.ds(j, LANES)][0]

  begin = lax.fori_loop(0, p, lambda j, s: s + lane0(j), 0)
  length = lane0(p)

  mis = lax.rem(begin, 8)
  aligned = pl.multiple_of(begin - mis, 8)
  n = mis + length
  h = WIN // 2

  d0 = pltpu.make_async_copy(
      batch_hbm.at[SC_B, pl.ds(aligned, h), pl.ds(hoff, HALF)],
      buf.at[pl.ds(0, h)], sem0)
  d1 = pltpu.make_async_copy(
      batch_hbm.at[SC_B, pl.ds(aligned + h, h), pl.ds(hoff, HALF)],
      buf.at[pl.ds(h, h)], sem1)
  d0.start()

  @pl.when(n > h)
  def _():
    d1.start()

  zeros = tuple(jnp.zeros((LANES,), jnp.float32) for _ in range(NHALF))

  def body(r, accs):
    return tuple(accs[i] + buf[r, pl.ds(i * LANES, LANES)]
                 for i in range(NHALF))

  def accum_range(lo, hi, accs):
    cnt = jnp.maximum(hi - lo, 0)
    pairs = cnt // 2

    def body2(k, accs):
      r = lo + 2 * k
      return tuple(
          (accs[i] + buf[r, pl.ds(i * LANES, LANES)])
          + buf[r + 1, pl.ds(i * LANES, LANES)]
          for i in range(NHALF))

    accs = lax.fori_loop(0, pairs, body2, accs)
    return lax.fori_loop(lo + 2 * pairs, hi, body, accs)

  d0.wait()
  accs = accum_range(mis, jnp.minimum(n, h), zeros)

  @pl.when(n > h)
  def _():
    d1.wait()
  accs = accum_range(h, jnp.maximum(n, h), accs)
  denom = jnp.maximum(length, 1).astype(jnp.float32)
  for i in range(NHALF):
    outbuf[0, pl.ds(i * LANES, LANES)] = accs[i]

  def fix_chunk(i, _):
    v = outbuf[0, pl.ds(i * LANES, LANES)] / denom
    v = jnp.where(v == 0.0, jnp.full((LANES,), -1.0, jnp.float32), v)
    outbuf[0, pl.ds(i * LANES, LANES)] = v
    return 0
  lax.fori_loop(0, NHALF, fix_chunk, 0)
  pltpu.sync_copy(outbuf, out_sh.at[pl.ds(p_local, 1), pl.ds(hoff, HALF)])

  plsc.subcore_barrier()

  @pl.when(s_ax == 0)
  def _():
    pltpu.sync_copy(out_sh,
                    out_hbm.at[0, pl.ds(pl.multiple_of(c_ax * 8, 8), 8), :])


def _tc_body(len_ref, batch_ref, out_ref):
  pos = jax.lax.broadcasted_iota(jnp.int32, (1, S), 1)
  rows = []
  denoms = []
  cum = jnp.int32(0)
  one = jnp.ones((1, 1), jnp.float32)
  for p in range(P):
    ln = len_ref[0, 0, p]
    begin = cum
    cum = cum + ln
    rows.append(((pos >= begin) & (pos < cum)).astype(jnp.float32))
    denoms.append(one * jnp.maximum(ln, 1).astype(jnp.float32))
  mask = jnp.concatenate(rows, axis=0)
  denom = jnp.concatenate(denoms, axis=0)
  maskb = mask.astype(jnp.bfloat16)
  bf = batch_ref[...]
  bhi = bf.astype(jnp.bfloat16)
  blo = (bf - bhi.astype(jnp.float32)).astype(jnp.bfloat16)
  dn = (((1,), (0,)), ((), ()))
  acc = (jax.lax.dot_general(maskb, bhi, dimension_numbers=dn,
                             preferred_element_type=jnp.float32)
         + jax.lax.dot_general(maskb, blo, dimension_numbers=dn,
                               preferred_element_type=jnp.float32))
  res = acc / denom
  out_ref[...] = jnp.where(res == 0.0, -1.0, res)


@jax.jit
def kernel(batch, patch_lengths):
  lengths = patch_lengths
  if lengths.dtype != jnp.int32:
    lengths = lengths.astype(jnp.int32)

  mesh = plsc.VectorSubcoreMesh(core_axis_name="c", subcore_axis_name="s")
  sc_run = pl.kernel(
      _sc_body,
      out_type=jax.ShapeDtypeStruct((1, P, D), jnp.float32),
      mesh=mesh,
      scratch_types=[
          pltpu.VMEM((B, P), jnp.int32),
          pltpu.VMEM((2 * P,), jnp.int32),
          pltpu.VMEM((WIN, HALF), jnp.float32),
          pltpu.VMEM((1, HALF), jnp.float32),
          pltpu.VMEM_SHARED((8, D), jnp.float32),
          pltpu.SemaphoreType.DMA,
          pltpu.SemaphoreType.DMA,
      ],
  )
  sc_out = sc_run(batch, lengths)

  tc_fn = pl.pallas_call(
      lambda len_ref, batch_ref, out_ref: _tc_body(
          len_ref, batch_ref.at[0], out_ref.at[0]),
      grid=(B - 1,),
      in_specs=[
          pl.BlockSpec((1, 1, P), lambda b: (b, 0, 0),
                       memory_space=pltpu.SMEM),
          pl.BlockSpec((1, S, D), lambda b: (b, 0, 0)),
      ],
      out_specs=pl.BlockSpec((1, P, D), lambda b: (b, 0, 0)),
      out_shape=jax.ShapeDtypeStruct((B - 1, P, D), jnp.float32),
  )
  tc_out = tc_fn(lengths.reshape(B, 1, P), batch)

  return jnp.concatenate([tc_out, sc_out], axis=0)

# --- scband reference (transcript-rebuilt; emitter-appended) ---
"""Pipeline reference for scband-patch-pooling-29746943492489 (READ-ONLY COPY).

The authoritative reference and input builder live on the scoring server;
editing this copy changes nothing except your own understanding.
"""

import jax, jax.numpy as jnp
import numpy as np


def setup_inputs(seed: int = 0) -> dict:
    key = jax.random.key(seed)
    k1, k2 = jax.random.split(key)
    batch = jax.random.normal(k1, (4, 2048, 512), dtype=jnp.float32)
    patch_lengths = jax.random.randint(k2, (4, 16), 0, 128, dtype=jnp.int64 if jax.config.jax_enable_x64 else jnp.int32)
    return {"batch": batch, "patch_lengths": patch_lengths}


def reference(batch, patch_lengths):
    B, S, D = batch.shape
    B1, P = patch_lengths.shape
    assert B == B1
    patch_ends = jnp.cumsum(patch_lengths, axis=1)
    patch_beginings = patch_ends - patch_lengths
    indexes = jnp.arange(0, S)
    mask = (indexes.reshape(1, 1, -1) < patch_ends.reshape(B, P, 1)) & (
        indexes.reshape(1, 1, -1) >= patch_beginings.reshape(B, P, 1)
    )
    masked_batch = jnp.where(
        mask.reshape(B, P, S, 1), batch.reshape(B, 1, S, D), jnp.zeros((D,), dtype=batch.dtype)
    )
    pl = jnp.where(patch_lengths == 0, 1, patch_lengths)
    result = jnp.sum(masked_batch, axis=2) / pl.reshape(B, P, 1).astype(batch.dtype)
    result = jnp.where(result.astype(bool), result, jnp.array(-1.0, dtype=batch.dtype))
    return result

if __name__ == "__main__":
    import jax
    _d = setup_inputs()
    print(jax.jit(kernel)(*tuple(_d.values())))

</pallas_src>

<mosaic_0001>
#map = affine_map<(d0, d1) -> (0, 0, 0)>
#map1 = affine_map<(d0, d1) -> (0, 0)>
module attributes {stable_mosaic.version = 14 : i64} {
  func.func @_sc_body(%arg0: i32, %arg1: i32, %arg2: memref<4x2048x512xf32, #tpu.memory_space<hbm>>, %arg3: memref<4x16xi32, #tpu.memory_space<hbm>>, %arg4: memref<1x16x512xf32, #tpu.memory_space<hbm>>, %arg5: memref<4x16xi32, #tpu.memory_space<vmem>>, %arg6: memref<32xi32, #tpu.memory_space<vmem>>, %arg7: memref<144x256xf32, #tpu.memory_space<vmem>>, %arg8: memref<1x256xf32, #tpu.memory_space<vmem>>, %arg9: memref<8x512xf32, #tpu.memory_space<vmem_shared>>, %arg10: memref<!tpu.dma_semaphore, #tpu.memory_space<semaphore_mem>>, %arg11: memref<!tpu.dma_semaphore, #tpu.memory_space<semaphore_mem>>) attributes {dimension_semantics = [#tpu.dimension_semantics<core_parallel>, #tpu.dimension_semantics<subcore_parallel>], iteration_bounds = array<i64: 2, 16>, scalar_prefetch = 0 : i64, scratch_operands = 7 : i64, tpu.core_type = #tpu.core_type<sc_vector_subcore>, window_params = [{transform_indices = #map}, {transform_indices = #map1}, {transform_indices = #map}]} {
    %jit3A = arith.constant 2 : i32
    %div3A = arith.divsi %arg1, %jit3A : i32
    %sign3A = arith.constant 0 : i32
    %sign3A_0 = arith.cmpi sgt, %arg1, %sign3A : i32
    %sign3A_1 = arith.extui %sign3A_0 : i1 to i32
    %sign3A_2 = arith.constant 0 : i32
    %sign3A_3 = arith.cmpi slt, %arg1, %sign3A_2 : i32
    %sign3A_4 = arith.extui %sign3A_3 : i1 to i32
    %sign3A_5 = arith.subi %sign3A_1, %sign3A_4 : i32
    %sign3A_6 = arith.constant 0 : i32
    %sign3A_7 = arith.cmpi sgt, %jit3A, %sign3A_6 : i32
    %sign3A_8 = arith.extui %sign3A_7 : i1 to i32
    %sign3A_9 = arith.constant 0 : i32
    %sign3A_10 = arith.cmpi slt, %jit3A, %sign3A_9 : i32
    %sign3A_11 = arith.extui %sign3A_10 : i1 to i32
    %sign3A_12 = arith.subi %sign3A_8, %sign3A_11 : i32
    %ne3A = arith.cmpi ne, %sign3A_5, %sign3A_12 : i32
    %rem3A = arith.remsi %arg1, %jit3A : i32
    %ne3A_13 = arith.constant 0 : i32
    %ne3A_14 = arith.cmpi ne, %rem3A, %ne3A_13 : i32
    %and3A = arith.andi %ne3A, %ne3A_14 : i1
    %sub3A = arith.constant 1 : i32
    %sub3A_15 = arith.subi %div3A, %sub3A : i32
    %select_n3A = arith.select %and3A, %sub3A_15, %div3A : i32
    %mul3A = arith.constant 8 : i32
    %mul3A_16 = arith.muli %arg0, %mul3A : i32
    %add3A = arith.addi %mul3A_16, %select_n3A : i32
    %jit3A_17 = arith.constant 2 : i32
    %eq3A = arith.constant 0 : i32
    %eq3A_18 = arith.cmpi eq, %jit3A_17, %eq3A : i32
    %jit3A_19 = arith.constant 1 : i32
    %select_n3A_20 = arith.select %eq3A_18, %jit3A_19, %jit3A_17 : i32
    %rem3A_21 = arith.remsi %arg1, %select_n3A_20 : i32
    %ne3A_22 = arith.constant 0 : i32
    %ne3A_23 = arith.cmpi ne, %rem3A_21, %ne3A_22 : i32
    %lt3A = arith.constant 0 : i32
    %lt3A_24 = arith.cmpi slt, %rem3A_21, %lt3A : i32
    %lt3A_25 = arith.constant 0 : i32
    %lt3A_26 = arith.cmpi slt, %select_n3A_20, %lt3A_25 : i32
    %ne3A_27 = arith.xori %lt3A_24, %lt3A_26 : i1
    %and3A_28 = arith.andi %ne3A_27, %ne3A_23 : i1
    %add3A_29 = arith.addi %rem3A_21, %select_n3A_20 : i32
    %select_n3A_30 = arith.select %and3A_28, %add3A_29, %rem3A_21 : i32
    %mul3A_31 = arith.constant 256 : i32
    %mul3A_32 = arith.muli %select_n3A_30, %mul3A_31 : i32
    "tpu.region"() ({
      %run_scoped3A = tpu.sem_alloc : memref<!tpu.dma_semaphore, #tpu.memory_space<semaphore_mem>>
      tpu.enqueue_dma source(%arg3 : memref<4x16xi32, #tpu.memory_space<hbm>>) target(%arg5 : memref<4x16xi32, #tpu.memory_space<vmem>>) target_semaphore(%run_scoped3A : memref<!tpu.dma_semaphore, #tpu.memory_space<semaphore_mem>>)
      tpu.wait_dma2 semaphore(%run_scoped3A : memref<!tpu.dma_semaphore, #tpu.memory_space<semaphore_mem>>) src(%arg3 : memref<4x16xi32, #tpu.memory_space<hbm>>) dst(%arg5 : memref<4x16xi32, #tpu.memory_space<vmem>>)
      tpu.yield
    }) : () -> ()
    %get3A = arith.constant 3 : i32
    %get3A_33 = arith.index_cast %get3A : i32 to index
    %get3A_34 = arith.constant 0 : index
    %get3A_35 = tpu.vector_load %arg5[%get3A_33, %get3A_34] {strides = array<i32>} : memref<4x16xi32, #tpu.memory_space<vmem>>, vector<1x16xi32>,
    %get3A_36 = vector.shape_cast %get3A_35 : vector<1x16xi32> to vector<16xi32>
    %swap3A = arith.constant 0 : index
    %swap3A_37 = tpu.vector_load %arg6[%swap3A] {strides = array<i32>} : memref<32xi32, #tpu.memory_space<vmem>>, vector<16xi32>,
    %swap3A_38 = vector.shape_cast %swap3A_37 : vector<16xi32> to vector<16xi32>
    %swap3A_39 = vector.shape_cast %get3A_36 : vector<16xi32> to vector<16xi32>
    tpu.vector_store %arg6[%swap3A], %swap3A_39 {strides = array<i32>} : memref<32xi32, #tpu.memory_space<vmem>>, vector<16xi32>,
    %broadcast_in_dim3A = arith.constant 0 : i32
    %broadcast_in_dim3A_40 = vector.broadcast %broadcast_in_dim3A : i32 to vector<16xi32>
    %swap3A_41 = arith.constant 16 : index
    %swap3A_42 = tpu.vector_load %arg6[%swap3A_41] {strides = array<i32>} : memref<32xi32, #tpu.memory_space<vmem>>, vector<16xi32>,
    %swap3A_43 = vector.shape_cast %swap3A_42 : vector<16xi32> to vector<16xi32>
    %swap3A_44 = vector.shape_cast %broadcast_in_dim3A_40 : vector<16xi32> to vector<16xi32>
    tpu.vector_store %arg6[%swap3A_41], %swap3A_44 {strides = array<i32>} : memref<32xi32, #tpu.memory_space<vmem>>, vector<16xi32>,
    %while3A = arith.constant 0 : i32
    %while3A_45 = arith.constant 0 : i32
    %while3A_46 = arith.subi %add3A, %while3A : i32
    %while3A_47 = arith.addi %while3A, %while3A_46 : i32
    %while3A_48 = arith.constant 1 : i32
    %while3A_49 = arith.divsi %while3A_46, %while3A_48 : i32
    %while3A_50 = arith.muli %while3A_49, %while3A_48 : i32
    %while3A_51 = arith.addi %while3A, %while3A_50 : i32
    %while3A_52 = arith.constant 1 : i32
    %while3A_53 = scf.for %while3A_342 = %while3A to %while3A_51 step %while3A_52 iter_args(%while3A_343 = %while3A_45) -> (i32)  : i32 {
      %get3A_344 = arith.index_cast %while3A_342 : i32 to index
      %get3A_345 = tpu.vector_load %arg6[%get3A_344] {strides = array<i32>} : memref<32xi32, #tpu.memory_space<vmem>>, vector<16xi32>,
      %get3A_346 = vector.shape_cast %get3A_345 : vector<16xi32> to vector<16xi32>
      %slice3A_347 = vector.extract_strided_slice %get3A_346 {offsets = [0], sizes = [1], strides = [1]} : vector<16xi32> to vector<1xi32>
      %squeeze3A_348 = vector.extract %slice3A_347[0] : i32 from vector<1xi32>
      %add3A_349 = arith.addi %while3A_343, %squeeze3A_348 : i32
      scf.yield %add3A_349 : i32
    }
    %while3A_54 = arith.constant 1 : i32
    %while3A_55 = scf.for %while3A_342 = %while3A_51 to %while3A_47 step %while3A_54 iter_args(%while3A_343 = %while3A_53) -> (i32)  : i32 {
      %get3A_344 = arith.index_cast %while3A_342 : i32 to index
      %get3A_345 = tpu.vector_load %arg6[%get3A_344] {strides = array<i32>} : memref<32xi32, #tpu.memory_space<vmem>>, vector<16xi32>,
      %get3A_346 = vector.shape_cast %get3A_345 : vector<16xi32> to vector<16xi32>
      %slice3A_347 = vector.extract_strided_slice %get3A_346 {offsets = [0], sizes = [1], strides = [1]} : vector<16xi32> to vector<1xi32>
      %squeeze3A_348 = vector.extract %slice3A_347[0] : i32 from vector<1xi32>
      %add3A_349 = arith.addi %while3A_343, %squeeze3A_348 : i32
      scf.yield %add3A_349 : i32
    }
    %get3A_56 = arith.index_cast %add3A : i32 to index
    %get3A_57 = tpu.vector_load %arg6[%get3A_56] {strides = array<i32>} : memref<32xi32, #tpu.memory_space<vmem>>, vector<16xi32>,
    %get3A_58 = vector.shape_cast %get3A_57 : vector<16xi32> to vector<16xi32>
    %slice3A = vector.extract_strided_slice %get3A_58 {offsets = [0], sizes = [1], strides = [1]} : vector<16xi32> to vector<1xi32>
    %squeeze3A = vector.extract %slice3A[0] : i32 from vector<1xi32>
    %rem3A_59 = arith.constant 8 : i32
    %rem3A_60 = arith.remsi %while3A_55, %rem3A_59 : i32
    %sub3A_61 = arith.subi %while3A_55, %rem3A_60 : i32
    %multiple_of3A = tpu.assume_multiple %sub3A_61, 8 : i32
    %add3A_62 = arith.addi %rem3A_60, %squeeze3A : i32
    %add3A_63 = arith.constant 72 : i32
    %add3A_64 = arith.addi %multiple_of3A, %add3A_63 : i32
    %dma_start3A = arith.constant 3 : i32
    %dma_start3A_65 = arith.constant 0 : i32
    %dma_start3A_66 = arith.constant 0 : i32
    %dma_start3A_67 = tpu.memref_slice %arg7[%dma_start3A_65, %dma_start3A_66] : memref<144x256xf32, #tpu.memory_space<vmem>> -> memref<72x256xf32, #tpu.memory_space<vmem>>
    %dma_start3A_68 = tpu.memref_slice %arg2[%dma_start3A, %multiple_of3A, %mul3A_32] : memref<4x2048x512xf32, #tpu.memory_space<hbm>> -> memref<1x72x256xf32, #tpu.memory_space<hbm>>
    %dma_start3A_69 = tpu.memref_squeeze %dma_start3A_68 : memref<1x72x256xf32, #tpu.memory_space<hbm>> -> memref<72x256xf32, #tpu.memory_space<hbm>>
    %dma_start3A_70 = arith.constant 0 : i32
    %dma_start3A_71 = arith.constant 0 : i32
    %dma_start3A_72 = tpu.memref_slice %arg7[%dma_start3A_70, %dma_start3A_71] : memref<144x256xf32, #tpu.memory_space<vmem>> -> memref<72x256xf32, #tpu.memory_space<vmem>>
    %dma_start3A_73 = tpu.memref_slice %arg2[%dma_start3A, %multiple_of3A, %mul3A_32] : memref<4x2048x512xf32, #tpu.memory_space<hbm>> -> memref<1x72x256xf32, #tpu.memory_space<hbm>>
    %dma_start3A_74 = tpu.memref_squeeze %dma_start3A_73 : memref<1x72x256xf32, #tpu.memory_space<hbm>> -> memref<72x256xf32, #tpu.memory_space<hbm>>
    tpu.enqueue_dma source(%dma_start3A_74 : memref<72x256xf32, #tpu.memory_space<hbm>>) target(%dma_start3A_72 : memref<72x256xf32, #tpu.memory_space<vmem>>) target_semaphore(%arg10 : memref<!tpu.dma_semaphore, #tpu.memory_space<semaphore_mem>>)
    %gt3A = arith.constant 72 : i32
    %gt3A_75 = arith.cmpi sgt, %add3A_62, %gt3A : i32
    %convert_element_type3A = arith.extui %gt3A_75 : i1 to i32
    %cond3A = arith.constant 3 : i32
    %cond3A_76 = arith.constant 0 : i32
    %cond3A_77 = arith.cmpi ne, %convert_element_type3A, %cond3A_76 : i32
    scf.if %cond3A_77 {
      %dma_start3A_342 = arith.constant 72 : i32
      %dma_start3A_343 = arith.constant 0 : i32
      %dma_start3A_344 = tpu.memref_slice %arg7[%dma_start3A_342, %dma_start3A_343] : memref<144x256xf32, #tpu.memory_space<vmem>> -> memref<72x256xf32, #tpu.memory_space<vmem>>
      %dma_start3A_345 = tpu.memref_slice %arg2[%cond3A, %add3A_64, %mul3A_32] : memref<4x2048x512xf32, #tpu.memory_space<hbm>> -> memref<1x72x256xf32, #tpu.memory_space<hbm>>
      %dma_start3A_346 = tpu.memref_squeeze %dma_start3A_345 : memref<1x72x256xf32, #tpu.memory_space<hbm>> -> memref<72x256xf32, #tpu.memory_space<hbm>>
      %dma_start3A_347 = arith.constant 72 : i32
      %dma_start3A_348 = arith.constant 0 : i32
      %dma_start3A_349 = tpu.memref_slice %arg7[%dma_start3A_347, %dma_start3A_348] : memref<144x256xf32, #tpu.memory_space<vmem>> -> memref<72x256xf32, #tpu.memory_space<vmem>>
      %dma_start3A_350 = tpu.memref_slice %arg2[%cond3A, %add3A_64, %mul3A_32] : memref<4x2048x512xf32, #tpu.memory_space<hbm>> -> memref<1x72x256xf32, #tpu.memory_space<hbm>>
      %dma_start3A_351 = tpu.memref_squeeze %dma_start3A_350 : memref<1x72x256xf32, #tpu.memory_space<hbm>> -> memref<72x256xf32, #tpu.memory_space<hbm>>
      tpu.enqueue_dma source(%dma_start3A_351 : memref<72x256xf32, #tpu.memory_space<hbm>>) target(%dma_start3A_349 : memref<72x256xf32, #tpu.memory_space<vmem>>) target_semaphore(%arg11 : memref<!tpu.dma_semaphore, #tpu.memory_space<semaphore_mem>>)
    } else {
    }
    %broadcast_in_dim3A_78 = arith.constant 0.000000e+00 : f32
    %broadcast_in_dim3A_79 = vector.broadcast %broadcast_in_dim3A_78 : f32 to vector<16xf32>
    %broadcast_in_dim3A_80 = arith.constant 0.000000e+00 : f32
    %broadcast_in_dim3A_81 = vector.broadcast %broadcast_in_dim3A_80 : f32 to vector<16xf32>
    %broadcast_in_dim3A_82 = arith.constant 0.000000e+00 : f32
    %broadcast_in_dim3A_83 = vector.broadcast %broadcast_in_dim3A_82 : f32 to vector<16xf32>
    %broadcast_in_dim3A_84 = arith.constant 0.000000e+00 : f32
    %broadcast_in_dim3A_85 = vector.broadcast %broadcast_in_dim3A_84 : f32 to vector<16xf32>
    %broadcast_in_dim3A_86 = arith.constant 0.000000e+00 : f32
    %broadcast_in_dim3A_87 = vector.broadcast %broadcast_in_dim3A_86 : f32 to vector<16xf32>
    %broadcast_in_dim3A_88 = arith.constant 0.000000e+00 : f32
    %broadcast_in_dim3A_89 = vector.broadcast %broadcast_in_dim3A_88 : f32 to vector<16xf32>
    %broadcast_in_dim3A_90 = arith.constant 0.000000e+00 : f32
    %broadcast_in_dim3A_91 = vector.broadcast %broadcast_in_dim3A_90 : f32 to vector<16xf32>
    %broadcast_in_dim3A_92 = arith.constant 0.000000e+00 : f32
    %broadcast_in_dim3A_93 = vector.broadcast %broadcast_in_dim3A_92 : f32 to vector<16xf32>
    %broadcast_in_dim3A_94 = arith.constant 0.000000e+00 : f32
    %broadcast_in_dim3A_95 = vector.broadcast %broadcast_in_dim3A_94 : f32 to vector<16xf32>
    %broadcast_in_dim3A_96 = arith.constant 0.000000e+00 : f32
    %broadcast_in_dim3A_97 = vector.broadcast %broadcast_in_dim3A_96 : f32 to vector<16xf32>
    %broadcast_in_dim3A_98 = arith.constant 0.000000e+00 : f32
    %broadcast_in_dim3A_99 = vector.broadcast %broadcast_in_dim3A_98 : f32 to vector<16xf32>
    %broadcast_in_dim3A_100 = arith.constant 0.000000e+00 : f32
    %broadcast_in_dim3A_101 = vector.broadcast %broadcast_in_dim3A_100 : f32 to vector<16xf32>
    %broadcast_in_dim3A_102 = arith.constant 0.000000e+00 : f32
    %broadcast_in_dim3A_103 = vector.broadcast %broadcast_in_dim3A_102 : f32 to vector<16xf32>
    %broadcast_in_dim3A_104 = arith.constant 0.000000e+00 : f32
    %broadcast_in_dim3A_105 = vector.broadcast %broadcast_in_dim3A_104 : f32 to vector<16xf32>
    %broadcast_in_dim3A_106 = arith.constant 0.000000e+00 : f32
    %broadcast_in_dim3A_107 = vector.broadcast %broadcast_in_dim3A_106 : f32 to vector<16xf32>
    %broadcast_in_dim3A_108 = arith.constant 0.000000e+00 : f32
    %broadcast_in_dim3A_109 = vector.broadcast %broadcast_in_dim3A_108 : f32 to vector<16xf32>
    %dma_wait3A = arith.constant 3 : i32
    %dma_wait3A_110 = arith.constant 0 : i32
    %dma_wait3A_111 = arith.constant 0 : i32
    %dma_wait3A_112 = tpu.memref_slice %arg7[%dma_wait3A_110, %dma_wait3A_111] : memref<144x256xf32, #tpu.memory_space<vmem>> -> memref<72x256xf32, #tpu.memory_space<vmem>>
    %dma_wait3A_113 = tpu.memref_slice %arg2[%dma_wait3A, %multiple_of3A, %mul3A_32] : memref<4x2048x512xf32, #tpu.memory_space<hbm>> -> memref<1x72x256xf32, #tpu.memory_space<hbm>>
    %dma_wait3A_114 = tpu.memref_squeeze %dma_wait3A_113 : memref<1x72x256xf32, #tpu.memory_space<hbm>> -> memref<72x256xf32, #tpu.memory_space<hbm>>
    %dma_wait3A_115 = arith.constant 0 : i32
    %dma_wait3A_116 = arith.constant 0 : i32
    %dma_wait3A_117 = tpu.memref_slice %arg7[%dma_wait3A_115, %dma_wait3A_116] : memref<144x256xf32, #tpu.memory_space<vmem>> -> memref<72x256xf32, #tpu.memory_space<vmem>>
    %dma_wait3A_118 = tpu.memref_slice %arg2[%dma_wait3A, %multiple_of3A, %mul3A_32] : memref<4x2048x512xf32, #tpu.memory_space<hbm>> -> memref<1x72x256xf32, #tpu.memory_space<hbm>>
    %dma_wait3A_119 = tpu.memref_squeeze %dma_wait3A_118 : memref<1x72x256xf32, #tpu.memory_space<hbm>> -> memref<72x256xf32, #tpu.memory_space<hbm>>
    tpu.wait_dma2 semaphore(%arg10 : memref<!tpu.dma_semaphore, #tpu.memory_space<semaphore_mem>>) src(%dma_wait3A_119 : memref<72x256xf32, #tpu.memory_space<hbm>>) dst(%dma_wait3A_117 : memref<72x256xf32, #tpu.memory_space<vmem>>)
    %min3A = arith.constant 72 : i32
    %min3A_120 = arith.minsi %add3A_62, %min3A : i32
    %sub3A_121 = arith.subi %min3A_120, %rem3A_60 : i32
    %max3A = arith.constant 0 : i32
    %max3A_122 = arith.maxsi %sub3A_121, %max3A : i32
    %jit3A_123 = arith.constant 2 : i32
    %div3A_124 = arith.divsi %max3A_122, %jit3A_123 : i32
    %sign3A_125 = arith.constant 0 : i32
    %sign3A_126 = arith.cmpi sgt, %max3A_122, %sign3A_125 : i32
    %sign3A_127 = arith.extui %sign3A_126 : i1 to i32
    %sign3A_128 = arith.constant 0 : i32
    %sign3A_129 = arith.cmpi slt, %max3A_122, %sign3A_128 : i32
    %sign3A_130 = arith.extui %sign3A_129 : i1 to i32
    %sign3A_131 = arith.subi %sign3A_127, %sign3A_130 : i32
    %sign3A_132 = arith.constant 0 : i32
    %sign3A_133 = arith.cmpi sgt, %jit3A_123, %sign3A_132 : i32
    %sign3A_134 = arith.extui %sign3A_133 : i1 to i32
    %sign3A_135 = arith.constant 0 : i32
    %sign3A_136 = arith.cmpi slt, %jit3A_123, %sign3A_135 : i32
    %sign3A_137 = arith.extui %sign3A_136 : i1 to i32
    %sign3A_138 = arith.subi %sign3A_134, %sign3A_137 : i32
    %ne3A_139 = arith.cmpi ne, %sign3A_131, %sign3A_138 : i32
    %rem3A_140 = arith.remsi %max3A_122, %jit3A_123 : i32
    %ne3A_141 = arith.constant 0 : i32
    %ne3A_142 = arith.cmpi ne, %rem3A_140, %ne3A_141 : i32
    %and3A_143 = arith.andi %ne3A_139, %ne3A_142 : i1
    %sub3A_144 = arith.constant 1 : i32
    %sub3A_145 = arith.subi %div3A_124, %sub3A_144 : i32
    %select_n3A_146 = arith.select %and3A_143, %sub3A_145, %div3A_124 : i32
    %while3A_147 = arith.constant 0 : i32
    %while3A_148 = arith.subi %select_n3A_146, %while3A_147 : i32
    %while3A_149 = arith.addi %while3A_147, %while3A_148 : i32
    %while3A_150 = arith.constant 1 : i32
    %while3A_151 = arith.divsi %while3A_148, %while3A_150 : i32
    %while3A_152 = arith.muli %while3A_151, %while3A_150 : i32
    %while3A_153 = arith.addi %while3A_147, %while3A_152 : i32
    %while3A_154 = arith.constant 1 : i32
    %while3A_155:16 = scf.for %while3A_342 = %while3A_147 to %while3A_153 step %while3A_154 iter_args(%while3A_343 = %broadcast_in_dim3A_79, %while3A_344 = %broadcast_in_dim3A_81, %while3A_345 = %broadcast_in_dim3A_83, %while3A_346 = %broadcast_in_dim3A_85, %while3A_347 = %broadcast_in_dim3A_87, %while3A_348 = %broadcast_in_dim3A_89, %while3A_349 = %broadcast_in_dim3A_91, %while3A_350 = %broadcast_in_dim3A_93, %while3A_351 = %broadcast_in_dim3A_95, %while3A_352 = %broadcast_in_dim3A_97, %while3A_353 = %broadcast_in_dim3A_99, %while3A_354 = %broadcast_in_dim3A_101, %while3A_355 = %broadcast_in_dim3A_103, %while3A_356 = %broadcast_in_dim3A_105, %while3A_357 = %broadcast_in_dim3A_107, %while3A_358 = %broadcast_in_dim3A_109) -> (vector<16xf32>, vector<16xf32>, vector<16xf32>, vector<16xf32>, vector<16xf32>, vector<16xf32>, vector<16xf32>, vector<16xf32>, vector<16xf32>, vector<16xf32>, vector<16xf32>, vector<16xf32>, vector<16xf32>, vector<16xf32>, vector<16xf32>, vector<16xf32>)  : i32 {
      %mul3A_359 = arith.constant 2 : i32
      %mul3A_360 = arith.muli %mul3A_359, %while3A_342 : i32
      %add3A_361 = arith.addi %rem3A_60, %mul3A_360 : i32
      %get3A_362 = arith.index_cast %add3A_361 : i32 to index
      %get3A_363 = arith.constant 0 : index
      %get3A_364 = tpu.vector_load %arg7[%get3A_362, %get3A_363] {strides = array<i32>} : memref<144x256xf32, #tpu.memory_space<vmem>>, vector<1x16xf32>,
      %get3A_365 = vector.shape_cast %get3A_364 : vector<1x16xf32> to vector<16xf32>
      %add3A_366 = arith.addf %while3A_343, %get3A_365 : vector<16xf32>
      %add3A_367 = arith.constant 1 : i32
      %add3A_368 = arith.addi %add3A_361, %add3A_367 : i32
      %get3A_369 = arith.index_cast %add3A_368 : i32 to index
      %get3A_370 = arith.constant 0 : index
      %get3A_371 = tpu.vector_load %arg7[%get3A_369, %get3A_370] {strides = array<i32>} : memref<144x256xf32, #tpu.memory_space<vmem>>, vector<1x16xf32>,
      %get3A_372 = vector.shape_cast %get3A_371 : vector<1x16xf32> to vector<16xf32>
      %add3A_373 = arith.addf %add3A_366, %get3A_372 : vector<16xf32>
      %get3A_374 = arith.index_cast %add3A_361 : i32 to index
      %get3A_375 = arith.constant 16 : index
      %get3A_376 = tpu.vector_load %arg7[%get3A_374, %get3A_375] {strides = array<i32>} : memref<144x256xf32, #tpu.memory_space<vmem>>, vector<1x16xf32>,
      %get3A_377 = vector.shape_cast %get3A_376 : vector<1x16xf32> to vector<16xf32>
      %add3A_378 = arith.addf %while3A_344, %get3A_377 : vector<16xf32>
      %add3A_379 = arith.constant 1 : i32
      %add3A_380 = arith.addi %add3A_361, %add3A_379 : i32
      %get3A_381 = arith.index_cast %add3A_380 : i32 to index
      %get3A_382 = arith.constant 16 : index
      %get3A_383 = tpu.vector_load %arg7[%get3A_381, %get3A_382] {strides = array<i32>} : memref<144x256xf32, #tpu.memory_space<vmem>>, vector<1x16xf32>,
      %get3A_384 = vector.shape_cast %get3A_383 : vector<1x16xf32> to vector<16xf32>
      %add3A_385 = arith.addf %add3A_378, %get3A_384 : vector<16xf32>
      %get3A_386 = arith.index_cast %add3A_361 : i32 to index
      %get3A_387 = arith.constant 32 : index
      %get3A_388 = tpu.vector_load %arg7[%get3A_386, %get3A_387] {strides = array<i32>} : memref<144x256xf32, #tpu.memory_space<vmem>>, vector<1x16xf32>,
      %get3A_389 = vector.shape_cast %get3A_388 : vector<1x16xf32> to vector<16xf32>
      %add3A_390 = arith.addf %while3A_345, %get3A_389 : vector<16xf32>
      %add3A_391 = arith.constant 1 : i32
      %add3A_392 = arith.addi %add3A_361, %add3A_391 : i32
      %get3A_393 = arith.index_cast %add3A_392 : i32 to index
      %get3A_394 = arith.constant 32 : index
      %get3A_395 = tpu.vector_load %arg7[%get3A_393, %get3A_394] {strides = array<i32>} : memref<144x256xf32, #tpu.memory_space<vmem>>, vector<1x16xf32>,
      %get3A_396 = vector.shape_cast %get3A_395 : vector<1x16xf32> to vector<16xf32>
      %add3A_397 = arith.addf %add3A_390, %get3A_396 : vector<16xf32>
      %get3A_398 = arith.index_cast %add3A_361 : i32 to index
      %get3A_399 = arith.constant 48 : index
      %get3A_400 = tpu.vector_load %arg7[%get3A_398, %get3A_399] {strides = array<i32>} : memref<144x256xf32, #tpu.memory_space<vmem>>, vector<1x16xf32>,
      %get3A_401 = vector.shape_cast %get3A_400 : vector<1x16xf32> to vector<16xf32>
      %add3A_402 = arith.addf %while3A_346, %get3A_401 : vector<16xf32>
      %add3A_403 = arith.constant 1 : i32
      %add3A_404 = arith.addi %add3A_361, %add3A_403 : i32
      %get3A_405 = arith.index_cast %add3A_404 : i32 to index
      %get3A_406 = arith.constant 48 : index
      %get3A_407 = tpu.vector_load %arg7[%get3A_405, %get3A_406] {strides = array<i32>} : memref<144x256xf32, #tpu.memory_space<vmem>>, vector<1x16xf32>,
      %get3A_408 = vector.shape_cast %get3A_407 : vector<1x16xf32> to vector<16xf32>
      %add3A_409 = arith.addf %add3A_402, %get3A_408 : vector<16xf32>
      %get3A_410 = arith.index_cast %add3A_361 : i32 to index
      %get3A_411 = arith.constant 64 : index
      %get3A_412 = tpu.vector_load %arg7[%get3A_410, %get3A_411] {strides = array<i32>} : memref<144x256xf32, #tpu.memory_space<vmem>>, vector<1x16xf32>,
      %get3A_413 = vector.shape_cast %get3A_412 : vector<1x16xf32> to vector<16xf32>
      %add3A_414 = arith.addf %while3A_347, %get3A_413 : vector<16xf32>
      %add3A_415 = arith.constant 1 : i32
      %add3A_416 = arith.addi %add3A_361, %add3A_415 : i32
      %get3A_417 = arith.index_cast %add3A_416 : i32 to index
      %get3A_418 = arith.constant 64 : index
      %get3A_419 = tpu.vector_load %arg7[%get3A_417, %get3A_418] {strides = array<i32>} : memref<144x256xf32, #tpu.memory_space<vmem>>, vector<1x16xf32>,
      %get3A_420 = vector.shape_cast %get3A_419 : vector<1x16xf32> to vector<16xf32>
      %add3A_421 = arith.addf %add3A_414, %get3A_420 : vector<16xf32>
      %get3A_422 = arith.index_cast %add3A_361 : i32 to index
      %get3A_423 = arith.constant 80 : index
      %get3A_424 = tpu.vector_load %arg7[%get3A_422, %get3A_423] {strides = array<i32>} : memref<144x256xf32, #tpu.memory_space<vmem>>, vector<1x16xf32>,
      %get3A_425 = vector.shape_cast %get3A_424 : vector<1x16xf32> to vector<16xf32>
      %add3A_426 = arith.addf %while3A_348, %get3A_425 : vector<16xf32>
      %add3A_427 = arith.constant 1 : i32
      %add3A_428 = arith.addi %add3A_361, %add3A_427 : i32
      %get3A_429 = arith.index_cast %add3A_428 : i32 to index
      %get3A_430 = arith.constant 80 : index
      %get3A_431 = tpu.vector_load %arg7[%get3A_429, %get3A_430] {strides = array<i32>} : memref<144x256xf32, #tpu.memory_space<vmem>>, vector<1x16xf32>,
      %get3A_432 = vector.shape_cast %get3A_431 : vector<1x16xf32> to vector<16xf32>
      %add3A_433 = arith.addf %add3A_426, %get3A_432 : vector<16xf32>
      %get3A_434 = arith.index_cast %add3A_361 : i32 to index
      %get3A_435 = arith.constant 96 : index
      %get3A_436 = tpu.vector_load %arg7[%get3A_434, %get3A_435] {strides = array<i32>} : memref<144x256xf32, #tpu.memory_space<vmem>>, vector<1x16xf32>,
      %get3A_437 = vector.shape_cast %get3A_436 : vector<1x16xf32> to vector<16xf32>
      %add3A_438 = arith.addf %while3A_349, %get3A_437 : vector<16xf32>
      %add3A_439 = arith.constant 1 : i32
      %add3A_440 = arith.addi %add3A_361, %add3A_439 : i32
      %get3A_441 = arith.index_cast %add3A_440 : i32 to index
      %get3A_442 = arith.constant 96 : index
      %get3A_443 = tpu.vector_load %arg7[%get3A_441, %get3A_442] {strides = array<i32>} : memref<144x256xf32, #tpu.memory_space<vmem>>, vector<1x16xf32>,
      %get3A_444 = vector.shape_cast %get3A_443 : vector<1x16xf32> to vector<16xf32>
      %add3A_445 = arith.addf %add3A_438, %get3A_444 : vector<16xf32>
      %get3A_446 = arith.index_cast %add3A_361 : i32 to index
      %get3A_447 = arith.constant 112 : index
      %get3A_448 = tpu.vector_load %arg7[%get3A_446, %get3A_447] {strides = array<i32>} : memref<144x256xf32, #tpu.memory_space<vmem>>, vector<1x16xf32>,
      %get3A_449 = vector.shape_cast %get3A_448 : vector<1x16xf32> to vector<16xf32>
      %add3A_450 = arith.addf %while3A_350, %get3A_449 : vector<16xf32>
      %add3A_451 = arith.constant 1 : i32
      %add3A_452 = arith.addi %add3A_361, %add3A_451 : i32
      %get3A_453 = arith.index_cast %add3A_452 : i32 to index
      %get3A_454 = arith.constant 112 : index
      %get3A_455 = tpu.vector_load %arg7[%get3A_453, %get3A_454] {strides = array<i32>} : memref<144x256xf32, #tpu.memory_space<vmem>>, vector<1x16xf32>,
      %get3A_456 = vector.shape_cast %get3A_455 : vector<1x16xf32> to vector<16xf32>
      %add3A_457 = arith.addf %add3A_450, %get3A_456 : vector<16xf32>
      %get3A_458 = arith.index_cast %add3A_361 : i32 to index
      %get3A_459 = arith.constant 128 : index
      %get3A_460 = tpu.vector_load %arg7[%get3A_458, %get3A_459] {strides = array<i32>} : memref<144x256xf32, #tpu.memory_space<vmem>>, vector<1x16xf32>,
      %get3A_461 = vector.shape_cast %get3A_460 : vector<1x16xf32> to vector<16xf32>
      %add3A_462 = arith.addf %while3A_351, %get3A_461 : vector<16xf32>
      %add3A_463 = arith.constant 1 : i32
      %add3A_464 = arith.addi %add3A_361, %add3A_463 : i32
      %get3A_465 = arith.index_cast %add3A_464 : i32 to index
      %get3A_466 = arith.constant 128 : index
      %get3A_467 = tpu.vector_load %arg7[%get3A_465, %get3A_466] {strides = array<i32>} : memref<144x256xf32, #tpu.memory_space<vmem>>, vector<1x16xf32>,
      %get3A_468 = vector.shape_cast %get3A_467 : vector<1x16xf32> to vector<16xf32>
      %add3A_469 = arith.addf %add3A_462, %get3A_468 : vector<16xf32>
      %get3A_470 = arith.index_cast %add3A_361 : i32 to index
      %get3A_471 = arith.constant 144 : index
      %get3A_472 = tpu.vector_load %arg7[%get3A_470, %get3A_471] {strides = array<i32>} : memref<144x256xf32, #tpu.memory_space<vmem>>, vector<1x16xf32>,
      %get3A_473 = vector.shape_cast %get3A_472 : vector<1x16xf32> to vector<16xf32>
      %add3A_474 = arith.addf %while3A_352, %get3A_473 : vector<16xf32>
      %add3A_475 = arith.constant 1 : i32
      %add3A_476 = arith.addi %add3A_361, %add3A_475 : i32
      %get3A_477 = arith.index_cast %add3A_476 : i32 to index
      %get3A_478 = arith.constant 144 : index
      %get3A_479 = tpu.vector_load %arg7[%get3A_477, %get3A_478] {strides = array<i32>} : memref<144x256xf32, #tpu.memory_space<vmem>>, vector<1x16xf32>,
      %get3A_480 = vector.shape_cast %get3A_479 : vector<1x16xf32> to vector<16xf32>
      %add3A_481 = arith.addf %add3A_474, %get3A_480 : vector<16xf32>
      %get3A_482 = arith.index_cast %add3A_361 : i32 to index
      %get3A_483 = arith.constant 160 : index
      %get3A_484 = tpu.vector_load %arg7[%get3A_482, %get3A_483] {strides = array<i32>} : memref<144x256xf32, #tpu.memory_space<vmem>>, vector<1x16xf32>,
      %get3A_485 = vector.shape_cast %get3A_484 : vector<1x16xf32> to vector<16xf32>
      %add3A_486 = arith.addf %while3A_353, %get3A_485 : vector<16xf32>
      %add3A_487 = arith.constant 1 : i32
      %add3A_488 = arith.addi %add3A_361, %add3A_487 : i32
      %get3A_489 = arith.index_cast %add3A_488 : i32 to index
      %get3A_490 = arith.constant 160 : index
      %get3A_491 = tpu.vector_load %arg7[%get3A_489, %get3A_490] {strides = array<i32>} : memref<144x256xf32, #tpu.memory_space<vmem>>, vector<1x16xf32>,
      %get3A_492 = vector.shape_cast %get3A_491 : vector<1x16xf32> to vector<16xf32>
      %add3A_493 = arith.addf %add3A_486, %get3A_492 : vector<16xf32>
      %get3A_494 = arith.index_cast %add3A_361 : i32 to index
      %get3A_495 = arith.constant 176 : index
      %get3A_496 = tpu.vector_load %arg7[%get3A_494, %get3A_495] {strides = array<i32>} : memref<144x256xf32, #tpu.memory_space<vmem>>, vector<1x16xf32>,
      %get3A_497 = vector.shape_cast %get3A_496 : vector<1x16xf32> to vector<16xf32>
      %add3A_498 = arith.addf %while3A_354, %get3A_497 : vector<16xf32>
      %add3A_499 = arith.constant 1 : i32
      %add3A_500 = arith.addi %add3A_361, %add3A_499 : i32
      %get3A_501 = arith.index_cast %add3A_500 : i32 to index
      %get3A_502 = arith.constant 176 : index
      %get3A_503 = tpu.vector_load %arg7[%get3A_501, %get3A_502] {strides = array<i32>} : memref<144x256xf32, #tpu.memory_space<vmem>>, vector<1x16xf32>,
      %get3A_504 = vector.shape_cast %get3A_503 : vector<1x16xf32> to vector<16xf32>
      %add3A_505 = arith.addf %add3A_498, %get3A_504 : vector<16xf32>
      %get3A_506 = arith.index_cast %add3A_361 : i32 to index
      %get3A_507 = arith.constant 192 : index
      %get3A_508 = tpu.vector_load %arg7[%get3A_506, %get3A_507] {strides = array<i32>} : memref<144x256xf32, #tpu.memory_space<vmem>>, vector<1x16xf32>,
      %get3A_509 = vector.shape_cast %get3A_508 : vector<1x16xf32> to vector<16xf32>
      %add3A_510 = arith.addf %while3A_355, %get3A_509 : vector<16xf32>
      %add3A_511 = arith.constant 1 : i32
      %add3A_512 = arith.addi %add3A_361, %add3A_511 : i32
      %get3A_513 = arith.index_cast %add3A_512 : i32 to index
      %get3A_514 = arith.constant 192 : index
      %get3A_515 = tpu.vector_load %arg7[%get3A_513, %get3A_514] {strides = array<i32>} : memref<144x256xf32, #tpu.memory_space<vmem>>, vector<1x16xf32>,
      %get3A_516 = vector.shape_cast %get3A_515 : vector<1x16xf32> to vector<16xf32>
      %add3A_517 = arith.addf %add3A_510, %get3A_516 : vector<16xf32>
      %get3A_518 = arith.index_cast %add3A_361 : i32 to index
      %get3A_519 = arith.constant 208 : index
      %get3A_520 = tpu.vector_load %arg7[%get3A_518, %get3A_519] {strides = array<i32>} : memref<144x256xf32, #tpu.memory_space<vmem>>, vector<1x16xf32>,
      %get3A_521 = vector.shape_cast %get3A_520 : vector<1x16xf32> to vector<16xf32>
      %add3A_522 = arith.addf %while3A_356, %get3A_521 : vector<16xf32>
      %add3A_523 = arith.constant 1 : i32
      %add3A_524 = arith.addi %add3A_361, %add3A_523 : i32
      %get3A_525 = arith.index_cast %add3A_524 : i32 to index
      %get3A_526 = arith.constant 208 : index
      %get3A_527 = tpu.vector_load %arg7[%get3A_525, %get3A_526] {strides = array<i32>} : memref<144x256xf32, #tpu.memory_space<vmem>>, vector<1x16xf32>,
      %get3A_528 = vector.shape_cast %get3A_527 : vector<1x16xf32> to vector<16xf32>
      %add3A_529 = arith.addf %add3A_522, %get3A_528 : vector<16xf32>
      %get3A_530 = arith.index_cast %add3A_361 : i32 to index
      %get3A_531 = arith.constant 224 : index
      %get3A_532 = tpu.vector_load %arg7[%get3A_530, %get3A_531] {strides = array<i32>} : memref<144x256xf32, #tpu.memory_space<vmem>>, vector<1x16xf32>,
      %get3A_533 = vector.shape_cast %get3A_532 : vector<1x16xf32> to vector<16xf32>
      %add3A_534 = arith.addf %while3A_357, %get3A_533 : vector<16xf32>
      %add3A_535 = arith.constant 1 : i32
      %add3A_536 = arith.addi %add3A_361, %add3A_535 : i32
      %get3A_537 = arith.index_cast %add3A_536 : i32 to index
      %get3A_538 = arith.constant 224 : index
      %get3A_539 = tpu.vector_load %arg7[%get3A_537, %get3A_538] {strides = array<i32>} : memref<144x256xf32, #tpu.memory_space<vmem>>, vector<1x16xf32>,
      %get3A_540 = vector.shape_cast %get3A_539 : vector<1x16xf32> to vector<16xf32>
      %add3A_541 = arith.addf %add3A_534, %get3A_540 : vector<16xf32>
      %get3A_542 = arith.index_cast %add3A_361 : i32 to index
      %get3A_543 = arith.constant 240 : index
      %get3A_544 = tpu.vector_load %arg7[%get3A_542, %get3A_543] {strides = array<i32>} : memref<144x256xf32, #tpu.memory_space<vmem>>, vector<1x16xf32>,
      %get3A_545 = vector.shape_cast %get3A_544 : vector<1x16xf32> to vector<16xf32>
      %add3A_546 = arith.addf %while3A_358, %get3A_545 : vector<16xf32>
      %add3A_547 = arith.constant 1 : i32
      %add3A_548 = arith.addi %add3A_361, %add3A_547 : i32
      %get3A_549 = arith.index_cast %add3A_548 : i32 to index
      %get3A_550 = arith.constant 240 : index
      %get3A_551 = tpu.vector_load %arg7[%get3A_549, %get3A_550] {strides = array<i32>} : memref<144x256xf32, #tpu.memory_space<vmem>>, vector<1x16xf32>,
      %get3A_552 = vector.shape_cast %get3A_551 : vector<1x16xf32> to vector<16xf32>
      %add3A_553 = arith.addf %add3A_546, %get3A_552 : vector<16xf32>
      scf.yield %add3A_373, %add3A_385, %add3A_397, %add3A_409, %add3A_421, %add3A_433, %add3A_445, %add3A_457, %add3A_469, %add3A_481, %add3A_493, %add3A_505, %add3A_517, %add3A_529, %add3A_541, %add3A_553 : vector<16xf32>, vector<16xf32>, vector<16xf32>, vector<16xf32>, vector<16xf32>, vector<16xf32>, vector<16xf32>, vector<16xf32>, vector<16xf32>, vector<16xf32>, vector<16xf32>, vector<16xf32>, vector<16xf32>, vector<16xf32>, vector<16xf32>, vector<16xf32>
    }
    %while3A_156 = arith.constant 1 : i32
    %while3A_157:16 = scf.for %while3A_342 = %while3A_153 to %while3A_149 step %while3A_156 iter_args(%while3A_343 = %while3A_155#0, %while3A_344 = %while3A_155#1, %while3A_345 = %while3A_155#2, %while3A_346 = %while3A_155#3, %while3A_347 = %while3A_155#4, %while3A_348 = %while3A_155#5, %while3A_349 = %while3A_155#6, %while3A_350 = %while3A_155#7, %while3A_351 = %while3A_155#8, %while3A_352 = %while3A_155#9, %while3A_353 = %while3A_155#10, %while3A_354 = %while3A_155#11, %while3A_355 = %while3A_155#12, %while3A_356 = %while3A_155#13, %while3A_357 = %while3A_155#14, %while3A_358 = %while3A_155#15) -> (vector<16xf32>, vector<16xf32>, vector<16xf32>, vector<16xf32>, vector<16xf32>, vector<16xf32>, vector<16xf32>, vector<16xf32>, vector<16xf32>, vector<16xf32>, vector<16xf32>, vector<16xf32>, vector<16xf32>, vector<16xf32>, vector<16xf32>, vector<16xf32>)  : i32 {
      %mul3A_359 = arith.constant 2 : i32
      %mul3A_360 = arith.muli %mul3A_359, %while3A_342 : i32
      %add3A_361 = arith.addi %rem3A_60, %mul3A_360 : i32
      %get3A_362 = arith.index_cast %add3A_361 : i32 to index
      %get3A_363 = arith.constant 0 : index
      %get3A_364 = tpu.vector_load %arg7[%get3A_362, %get3A_363] {strides = array<i32>} : memref<144x256xf32, #tpu.memory_space<vmem>>, vector<1x16xf32>,
      %get3A_365 = vector.shape_cast %get3A_364 : vector<1x16xf32> to vector<16xf32>
      %add3A_366 = arith.addf %while3A_343, %get3A_365 : vector<16xf32>
      %add3A_367 = arith.constant 1 : i32
      %add3A_368 = arith.addi %add3A_361, %add3A_367 : i32
      %get3A_369 = arith.index_cast %add3A_368 : i32 to index
      %get3A_370 = arith.constant 0 : index
      %get3A_371 = tpu.vector_load %arg7[%get3A_369, %get3A_370] {strides = array<i32>} : memref<144x256xf32, #tpu.memory_space<vmem>>, vector<1x16xf32>,
      %get3A_372 = vector.shape_cast %get3A_371 : vector<1x16xf32> to vector<16xf32>
      %add3A_373 = arith.addf %add3A_366, %get3A_372 : vector<16xf32>
      %get3A_374 = arith.index_cast %add3A_361 : i32 to index
      %get3A_375 = arith.constant 16 : index
      %get3A_376 = tpu.vector_load %arg7[%get3A_374, %get3A_375] {strides = array<i32>} : memref<144x256xf32, #tpu.memory_space<vmem>>, vector<1x16xf32>,
      %get3A_377 = vector.shape_cast %get3A_376 : vector<1x16xf32> to vector<16xf32>
      %add3A_378 = arith.addf %while3A_344, %get3A_377 : vector<16xf32>
      %add3A_379 = arith.constant 1 : i32
      %add3A_380 = arith.addi %add3A_361, %add3A_379 : i32
      %get3A_381 = arith.index_cast %add3A_380 : i32 to index
      %get3A_382 = arith.constant 16 : index
      %get3A_383 = tpu.vector_load %arg7[%get3A_381, %get3A_382] {strides = array<i32>} : memref<144x256xf32, #tpu.memory_space<vmem>>, vector<1x16xf32>,
      %get3A_384 = vector.shape_cast %get3A_383 : vector<1x16xf32> to vector<16xf32>
      %add3A_385 = arith.addf %add3A_378, %get3A_384 : vector<16xf32>
      %get3A_386 = arith.index_cast %add3A_361 : i32 to index
      %get3A_387 = arith.constant 32 : index
      %get3A_388 = tpu.vector_load %arg7[%get3A_386, %get3A_387] {strides = array<i32>} : memref<144x256xf32, #tpu.memory_space<vmem>>, vector<1x16xf32>,
      %get3A_389 = vector.shape_cast %get3A_388 : vector<1x16xf32> to vector<16xf32>
      %add3A_390 = arith.addf %while3A_345, %get3A_389 : vector<16xf32>
      %add3A_391 = arith.constant 1 : i32
      %add3A_392 = arith.addi %add3A_361, %add3A_391 : i32
      %get3A_393 = arith.index_cast %add3A_392 : i32 to index
      %get3A_394 = arith.constant 32 : index
      %get3A_395 = tpu.vector_load %arg7[%get3A_393, %get3A_394] {strides = array<i32>} : memref<144x256xf32, #tpu.memory_space<vmem>>, vector<1x16xf32>,
      %get3A_396 = vector.shape_cast %get3A_395 : vector<1x16xf32> to vector<16xf32>
      %add3A_397 = arith.addf %add3A_390, %get3A_396 : vector<16xf32>
      %get3A_398 = arith.index_cast %add3A_361 : i32 to index
      %get3A_399 = arith.constant 48 : index
      %get3A_400 = tpu.vector_load %arg7[%get3A_398, %get3A_399] {strides = array<i32>} : memref<144x256xf32, #tpu.memory_space<vmem>>, vector<1x16xf32>,
      %get3A_401 = vector.shape_cast %get3A_400 : vector<1x16xf32> to vector<16xf32>
      %add3A_402 = arith.addf %while3A_346, %get3A_401 : vector<16xf32>
      %add3A_403 = arith.constant 1 : i32
      %add3A_404 = arith.addi %add3A_361, %add3A_403 : i32
      %get3A_405 = arith.index_cast %add3A_404 : i32 to index
      %get3A_406 = arith.constant 48 : index
      %get3A_407 = tpu.vector_load %arg7[%get3A_405, %get3A_406] {strides = array<i32>} : memref<144x256xf32, #tpu.memory_space<vmem>>, vector<1x16xf32>,
      %get3A_408 = vector.shape_cast %get3A_407 : vector<1x16xf32> to vector<16xf32>
      %add3A_409 = arith.addf %add3A_402, %get3A_408 : vector<16xf32>
      %get3A_410 = arith.index_cast %add3A_361 : i32 to index
      %get3A_411 = arith.constant 64 : index
      %get3A_412 = tpu.vector_load %arg7[%get3A_410, %get3A_411] {strides = array<i32>} : memref<144x256xf32, #tpu.memory_space<vmem>>, vector<1x16xf32>,
      %get3A_413 = vector.shape_cast %get3A_412 : vector<1x16xf32> to vector<16xf32>
      %add3A_414 = arith.addf %while3A_347, %get3A_413 : vector<16xf32>
      %add3A_415 = arith.constant 1 : i32
      %add3A_416 = arith.addi %add3A_361, %add3A_415 : i32
      %get3A_417 = arith.index_cast %add3A_416 : i32 to index
      %get3A_418 = arith.constant 64 : index
      %get3A_419 = tpu.vector_load %arg7[%get3A_417, %get3A_418] {strides = array<i32>} : memref<144x256xf32, #tpu.memory_space<vmem>>, vector<1x16xf32>,
      %get3A_420 = vector.shape_cast %get3A_419 : vector<1x16xf32> to vector<16xf32>
      %add3A_421 = arith.addf %add3A_414, %get3A_420 : vector<16xf32>
      %get3A_422 = arith.index_cast %add3A_361 : i32 to index
      %get3A_423 = arith.constant 80 : index
      %get3A_424 = tpu.vector_load %arg7[%get3A_422, %get3A_423] {strides = array<i32>} : memref<144x256xf32, #tpu.memory_space<vmem>>, vector<1x16xf32>,
      %get3A_425 = vector.shape_cast %get3A_424 : vector<1x16xf32> to vector<16xf32>
      %add3A_426 = arith.addf %while3A_348, %get3A_425 : vector<16xf32>
      %add3A_427 = arith.constant 1 : i32
      %add3A_428 = arith.addi %add3A_361, %add3A_427 : i32
      %get3A_429 = arith.index_cast %add3A_428 : i32 to index
      %get3A_430 = arith.constant 80 : index
      %get3A_431 = tpu.vector_load %arg7[%get3A_429, %get3A_430] {strides = array<i32>} : memref<144x256xf32, #tpu.memory_space<vmem>>, vector<1x16xf32>,
      %get3A_432 = vector.shape_cast %get3A_431 : vector<1x16xf32> to vector<16xf32>
      %add3A_433 = arith.addf %add3A_426, %get3A_432 : vector<16xf32>
      %get3A_434 = arith.index_cast %add3A_361 : i32 to index
      %get3A_435 = arith.constant 96 : index
      %get3A_436 = tpu.vector_load %arg7[%get3A_434, %get3A_435] {strides = array<i32>} : memref<144x256xf32, #tpu.memory_space<vmem>>, vector<1x16xf32>,
      %get3A_437 = vector.shape_cast %get3A_436 : vector<1x16xf32> to vector<16xf32>
      %add3A_438 = arith.addf %while3A_349, %get3A_437 : vector<16xf32>
      %add3A_439 = arith.constant 1 : i32
      %add3A_440 = arith.addi %add3A_361, %add3A_439 : i32
      %get3A_441 = arith.index_cast %add3A_440 : i32 to index
      %get3A_442 = arith.constant 96 : index
      %get3A_443 = tpu.vector_load %arg7[%get3A_441, %get3A_442] {strides = array<i32>} : memref<144x256xf32, #tpu.memory_space<vmem>>, vector<1x16xf32>,
      %get3A_444 = vector.shape_cast %get3A_443 : vector<1x16xf32> to vector<16xf32>
      %add3A_445 = arith.addf %add3A_438, %get3A_444 : vector<16xf32>
      %get3A_446 = arith.index_cast %add3A_361 : i32 to index
      %get3A_447 = arith.constant 112 : index
      %get3A_448 = tpu.vector_load %arg7[%get3A_446, %get3A_447] {strides = array<i32>} : memref<144x256xf32, #tpu.memory_space<vmem>>, vector<1x16xf32>,
      %get3A_449 = vector.shape_cast %get3A_448 : vector<1x16xf32> to vector<16xf32>
      %add3A_450 = arith.addf %while3A_350, %get3A_449 : vector<16xf32>
      %add3A_451 = arith.constant 1 : i32
      %add3A_452 = arith.addi %add3A_361, %add3A_451 : i32
      %get3A_453 = arith.index_cast %add3A_452 : i32 to index
      %get3A_454 = arith.constant 112 : index
      %get3A_455 = tpu.vector_load %arg7[%get3A_453, %get3A_454] {strides = array<i32>} : memref<144x256xf32, #tpu.memory_space<vmem>>, vector<1x16xf32>,
      %get3A_456 = vector.shape_cast %get3A_455 : vector<1x16xf32> to vector<16xf32>
      %add3A_457 = arith.addf %add3A_450, %get3A_456 : vector<16xf32>
      %get3A_458 = arith.index_cast %add3A_361 : i32 to index
      %get3A_459 = arith.constant 128 : index
      %get3A_460 = tpu.vector_load %arg7[%get3A_458, %get3A_459] {strides = array<i32>} : memref<144x256xf32, #tpu.memory_space<vmem>>, vector<1x16xf32>,
      %get3A_461 = vector.shape_cast %get3A_460 : vector<1x16xf32> to vector<16xf32>
      %add3A_462 = arith.addf %while3A_351, %get3A_461 : vector<16xf32>
      %add3A_463 = arith.constant 1 : i32
      %add3A_464 = arith.addi %add3A_361, %add3A_463 : i32
      %get3A_465 = arith.index_cast %add3A_464 : i32 to index
      %get3A_466 = arith.constant 128 : index
      %get3A_467 = tpu.vector_load %arg7[%get3A_465, %get3A_466] {strides = array<i32>} : memref<144x256xf32, #tpu.memory_space<vmem>>, vector<1x16xf32>,
      %get3A_468 = vector.shape_cast %get3A_467 : vector<1x16xf32> to vector<16xf32>
      %add3A_469 = arith.addf %add3A_462, %get3A_468 : vector<16xf32>
      %get3A_470 = arith.index_cast %add3A_361 : i32 to index
      %get3A_471 = arith.constant 144 : index
      %get3A_472 = tpu.vector_load %arg7[%get3A_470, %get3A_471] {strides = array<i32>} : memref<144x256xf32, #tpu.memory_space<vmem>>, vector<1x16xf32>,
      %get3A_473 = vector.shape_cast %get3A_472 : vector<1x16xf32> to vector<16xf32>
      %add3A_474 = arith.addf %while3A_352, %get3A_473 : vector<16xf32>
      %add3A_475 = arith.constant 1 : i32
      %add3A_476 = arith.addi %add3A_361, %add3A_475 : i32
      %get3A_477 = arith.index_cast %add3A_476 : i32 to index
      %get3A_478 = arith.constant 144 : index
      %get3A_479 = tpu.vector_load %arg7[%get3A_477, %get3A_478] {strides = array<i32>} : memref<144x256xf32, #tpu.memory_space<vmem>>, vector<1x16xf32>,
      %get3A_480 = vector.shape_cast %get3A_479 : vector<1x16xf32> to vector<16xf32>
      %add3A_481 = arith.addf %add3A_474, %get3A_480 : vector<16xf32>
      %get3A_482 = arith.index_cast %add3A_361 : i32 to index
      %get3A_483 = arith.constant 160 : index
      %get3A_484 = tpu.vector_load %arg7[%get3A_482, %get3A_483] {strides = array<i32>} : memref<144x256xf32, #tpu.memory_space<vmem>>, vector<1x16xf32>,
      %get3A_485 = vector.shape_cast %get3A_484 : vector<1x16xf32> to vector<16xf32>
      %add3A_486 = arith.addf %while3A_353, %get3A_485 : vector<16xf32>
      %add3A_487 = arith.constant 1 : i32
      %add3A_488 = arith.addi %add3A_361, %add3A_487 : i32
      %get3A_489 = arith.index_cast %add3A_488 : i32 to index
      %get3A_490 = arith.constant 160 : index
      %get3A_491 = tpu.vector_load %arg7[%get3A_489, %get3A_490] {strides = array<i32>} : memref<144x256xf32, #tpu.memory_space<vmem>>, vector<1x16xf32>,
      %get3A_492 = vector.shape_cast %get3A_491 : vector<1x16xf32> to vector<16xf32>
      %add3A_493 = arith.addf %add3A_486, %get3A_492 : vector<16xf32>
      %get3A_494 = arith.index_cast %add3A_361 : i32 to index
      %get3A_495 = arith.constant 176 : index
      %get3A_496 = tpu.vector_load %arg7[%get3A_494, %get3A_495] {strides = array<i32>} : memref<144x256xf32, #tpu.memory_space<vmem>>, vector<1x16xf32>,
      %get3A_497 = vector.shape_cast %get3A_496 : vector<1x16xf32> to vector<16xf32>
      %add3A_498 = arith.addf %while3A_354, %get3A_497 : vector<16xf32>
      %add3A_499 = arith.constant 1 : i32
      %add3A_500 = arith.addi %add3A_361, %add3A_499 : i32
      %get3A_501 = arith.index_cast %add3A_500 : i32 to index
      %get3A_502 = arith.constant 176 : index
      %get3A_503 = tpu.vector_load %arg7[%get3A_501, %get3A_502] {strides = array<i32>} : memref<144x256xf32, #tpu.memory_space<vmem>>, vector<1x16xf32>,
      %get3A_504 = vector.shape_cast %get3A_503 : vector<1x16xf32> to vector<16xf32>
      %add3A_505 = arith.addf %add3A_498, %get3A_504 : vector<16xf32>
      %get3A_506 = arith.index_cast %add3A_361 : i32 to index
      %get3A_507 = arith.constant 192 : index
      %get3A_508 = tpu.vector_load %arg7[%get3A_506, %get3A_507] {strides = array<i32>} : memref<144x256xf32, #tpu.memory_space<vmem>>, vector<1x16xf32>,
      %get3A_509 = vector.shape_cast %get3A_508 : vector<1x16xf32> to vector<16xf32>
      %add3A_510 = arith.addf %while3A_355, %get3A_509 : vector<16xf32>
      %add3A_511 = arith.constant 1 : i32
      %add3A_512 = arith.addi %add3A_361, %add3A_511 : i32
      %get3A_513 = arith.index_cast %add3A_512 : i32 to index
      %get3A_514 = arith.constant 192 : index
      %get3A_515 = tpu.vector_load %arg7[%get3A_513, %get3A_514] {strides = array<i32>} : memref<144x256xf32, #tpu.memory_space<vmem>>, vector<1x16xf32>,
      %get3A_516 = vector.shape_cast %get3A_515 : vector<1x16xf32> to vector<16xf32>
      %add3A_517 = arith.addf %add3A_510, %get3A_516 : vector<16xf32>
      %get3A_518 = arith.index_cast %add3A_361 : i32 to index
      %get3A_519 = arith.constant 208 : index
      %get3A_520 = tpu.vector_load %arg7[%get3A_518, %get3A_519] {strides = array<i32>} : memref<144x256xf32, #tpu.memory_space<vmem>>, vector<1x16xf32>,
      %get3A_521 = vector.shape_cast %get3A_520 : vector<1x16xf32> to vector<16xf32>
      %add3A_522 = arith.addf %while3A_356, %get3A_521 : vector<16xf32>
      %add3A_523 = arith.constant 1 : i32
      %add3A_524 = arith.addi %add3A_361, %add3A_523 : i32
      %get3A_525 = arith.index_cast %add3A_524 : i32 to index
      %get3A_526 = arith.constant 208 : index
      %get3A_527 = tpu.vector_load %arg7[%get3A_525, %get3A_526] {strides = array<i32>} : memref<144x256xf32, #tpu.memory_space<vmem>>, vector<1x16xf32>,
      %get3A_528 = vector.shape_cast %get3A_527 : vector<1x16xf32> to vector<16xf32>
      %add3A_529 = arith.addf %add3A_522, %get3A_528 : vector<16xf32>
      %get3A_530 = arith.index_cast %add3A_361 : i32 to index
      %get3A_531 = arith.constant 224 : index
      %get3A_532 = tpu.vector_load %arg7[%get3A_530, %get3A_531] {strides = array<i32>} : memref<144x256xf32, #tpu.memory_space<vmem>>, vector<1x16xf32>,
      %get3A_533 = vector.shape_cast %get3A_532 : vector<1x16xf32> to vector<16xf32>
      %add3A_534 = arith.addf %while3A_357, %get3A_533 : vector<16xf32>
      %add3A_535 = arith.constant 1 : i32
      %add3A_536 = arith.addi %add3A_361, %add3A_535 : i32
      %get3A_537 = arith.index_cast %add3A_536 : i32 to index
      %get3A_538 = arith.constant 224 : index
      %get3A_539 = tpu.vector_load %arg7[%get3A_537, %get3A_538] {strides = array<i32>} : memref<144x256xf32, #tpu.memory_space<vmem>>, vector<1x16xf32>,
      %get3A_540 = vector.shape_cast %get3A_539 : vector<1x16xf32> to vector<16xf32>
      %add3A_541 = arith.addf %add3A_534, %get3A_540 : vector<16xf32>
      %get3A_542 = arith.index_cast %add3A_361 : i32 to index
      %get3A_543 = arith.constant 240 : index
      %get3A_544 = tpu.vector_load %arg7[%get3A_542, %get3A_543] {strides = array<i32>} : memref<144x256xf32, #tpu.memory_space<vmem>>, vector<1x16xf32>,
      %get3A_545 = vector.shape_cast %get3A_544 : vector<1x16xf32> to vector<16xf32>
      %add3A_546 = arith.addf %while3A_358, %get3A_545 : vector<16xf32>
      %add3A_547 = arith.constant 1 : i32
      %add3A_548 = arith.addi %add3A_361, %add3A_547 : i32
      %get3A_549 = arith.index_cast %add3A_548 : i32 to index
      %get3A_550 = arith.constant 240 : index
      %get3A_551 = tpu.vector_load %arg7[%get3A_549, %get3A_550] {strides = array<i32>} : memref<144x256xf32, #tpu.memory_space<vmem>>, vector<1x16xf32>,
      %get3A_552 = vector.shape_cast %get3A_551 : vector<1x16xf32> to vector<16xf32>
      %add3A_553 = arith.addf %add3A_546, %get3A_552 : vector<16xf32>
      scf.yield %add3A_373, %add3A_385, %add3A_397, %add3A_409, %add3A_421, %add3A_433, %add3A_445, %add3A_457, %add3A_469, %add3A_481, %add3A_493, %add3A_505, %add3A_517, %add3A_529, %add3A_541, %add3A_553 : vector<16xf32>, vector<16xf32>, vector<16xf32>, vector<16xf32>, vector<16xf32>, vector<16xf32>, vector<16xf32>, vector<16xf32>, vector<16xf32>, vector<16xf32>, vector<16xf32>, vector<16xf32>, vector<16xf32>, vector<16xf32>, vector<16xf32>, vector<16xf32>
    }
    %mul3A_158 = arith.constant 2 : i32
    %mul3A_159 = arith.muli %mul3A_158, %select_n3A_146 : i32
    %add3A_160 = arith.addi %rem3A_60, %mul3A_159 : i32
    %while3A_161 = arith.subi %min3A_120, %add3A_160 : i32
    %while3A_162 = arith.addi %add3A_160, %while3A_161 : i32
    %while3A_163 = arith.constant 1 : i32
    %while3A_164 = arith.divsi %while3A_161, %while3A_163 : i32
    %while3A_165 = arith.muli %while3A_164, %while3A_163 : i32
    %while3A_166 = arith.addi %add3A_160, %while3A_165 : i32
    %while3A_167 = arith.constant 1 : i32
    %while3A_168:16 = scf.for %while3A_342 = %add3A_160 to %while3A_166 step %while3A_167 iter_args(%while3A_343 = %while3A_157#0, %while3A_344 = %while3A_157#1, %while3A_345 = %while3A_157#2, %while3A_346 = %while3A_157#3, %while3A_347 = %while3A_157#4, %while3A_348 = %while3A_157#5, %while3A_349 = %while3A_157#6, %while3A_350 = %while3A_157#7, %while3A_351 = %while3A_157#8, %while3A_352 = %while3A_157#9, %while3A_353 = %while3A_157#10, %while3A_354 = %while3A_157#11, %while3A_355 = %while3A_157#12, %while3A_356 = %while3A_157#13, %while3A_357 = %while3A_157#14, %while3A_358 = %while3A_157#15) -> (vector<16xf32>, vector<16xf32>, vector<16xf32>, vector<16xf32>, vector<16xf32>, vector<16xf32>, vector<16xf32>, vector<16xf32>, vector<16xf32>, vector<16xf32>, vector<16xf32>, vector<16xf32>, vector<16xf32>, vector<16xf32>, vector<16xf32>, vector<16xf32>)  : i32 {
      %get3A_359 = arith.index_cast %while3A_342 : i32 to index
      %get3A_360 = arith.constant 0 : index
      %get3A_361 = tpu.vector_load %arg7[%get3A_359, %get3A_360] {strides = array<i32>} : memref<144x256xf32, #tpu.memory_space<vmem>>, vector<1x16xf32>,
      %get3A_362 = vector.shape_cast %get3A_361 : vector<1x16xf32> to vector<16xf32>
      %add3A_363 = arith.addf %while3A_343, %get3A_362 : vector<16xf32>
      %get3A_364 = arith.index_cast %while3A_342 : i32 to index
      %get3A_365 = arith.constant 16 : index
      %get3A_366 = tpu.vector_load %arg7[%get3A_364, %get3A_365] {strides = array<i32>} : memref<144x256xf32, #tpu.memory_space<vmem>>, vector<1x16xf32>,
      %get3A_367 = vector.shape_cast %get3A_366 : vector<1x16xf32> to vector<16xf32>
      %add3A_368 = arith.addf %while3A_344, %get3A_367 : vector<16xf32>
      %get3A_369 = arith.index_cast %while3A_342 : i32 to index
      %get3A_370 = arith.constant 32 : index
      %get3A_371 = tpu.vector_load %arg7[%get3A_369, %get3A_370] {strides = array<i32>} : memref<144x256xf32, #tpu.memory_space<vmem>>, vector<1x16xf32>,
      %get3A_372 = vector.shape_cast %get3A_371 : vector<1x16xf32> to vector<16xf32>
      %add3A_373 = arith.addf %while3A_345, %get3A_372 : vector<16xf32>
      %get3A_374 = arith.index_cast %while3A_342 : i32 to index
      %get3A_375 = arith.constant 48 : index
      %get3A_376 = tpu.vector_load %arg7[%get3A_374, %get3A_375] {strides = array<i32>} : memref<144x256xf32, #tpu.memory_space<vmem>>, vector<1x16xf32>,
      %get3A_377 = vector.shape_cast %get3A_376 : vector<1x16xf32> to vector<16xf32>
      %add3A_378 = arith.addf %while3A_346, %get3A_377 : vector<16xf32>
      %get3A_379 = arith.index_cast %while3A_342 : i32 to index
      %get3A_380 = arith.constant 64 : index
      %get3A_381 = tpu.vector_load %arg7[%get3A_379, %get3A_380] {strides = array<i32>} : memref<144x256xf32, #tpu.memory_space<vmem>>, vector<1x16xf32>,
      %get3A_382 = vector.shape_cast %get3A_381 : vector<1x16xf32> to vector<16xf32>
      %add3A_383 = arith.addf %while3A_347, %get3A_382 : vector<16xf32>
      %get3A_384 = arith.index_cast %while3A_342 : i32 to index
      %get3A_385 = arith.constant 80 : index
      %get3A_386 = tpu.vector_load %arg7[%get3A_384, %get3A_385] {strides = array<i32>} : memref<144x256xf32, #tpu.memory_space<vmem>>, vector<1x16xf32>,
      %get3A_387 = vector.shape_cast %get3A_386 : vector<1x16xf32> to vector<16xf32>
      %add3A_388 = arith.addf %while3A_348, %get3A_387 : vector<16xf32>
      %get3A_389 = arith.index_cast %while3A_342 : i32 to index
      %get3A_390 = arith.constant 96 : index
      %get3A_391 = tpu.vector_load %arg7[%get3A_389, %get3A_390] {strides = array<i32>} : memref<144x256xf32, #tpu.memory_space<vmem>>, vector<1x16xf32>,
      %get3A_392 = vector.shape_cast %get3A_391 : vector<1x16xf32> to vector<16xf32>
      %add3A_393 = arith.addf %while3A_349, %get3A_392 : vector<16xf32>
      %get3A_394 = arith.index_cast %while3A_342 : i32 to index
      %get3A_395 = arith.constant 112 : index
      %get3A_396 = tpu.vector_load %arg7[%get3A_394, %get3A_395] {strides = array<i32>} : memref<144x256xf32, #tpu.memory_space<vmem>>, vector<1x16xf32>,
      %get3A_397 = vector.shape_cast %get3A_396 : vector<1x16xf32> to vector<16xf32>
      %add3A_398 = arith.addf %while3A_350, %get3A_397 : vector<16xf32>
      %get3A_399 = arith.index_cast %while3A_342 : i32 to index
      %get3A_400 = arith.constant 128 : index
      %get3A_401 = tpu.vector_load %arg7[%get3A_399, %get3A_400] {strides = array<i32>} : memref<144x256xf32, #tpu.memory_space<vmem>>, vector<1x16xf32>,
      %get3A_402 = vector.shape_cast %get3A_401 : vector<1x16xf32> to vector<16xf32>
      %add3A_403 = arith.addf %while3A_351, %get3A_402 : vector<16xf32>
      %get3A_404 = arith.index_cast %while3A_342 : i32 to index
      %get3A_405 = arith.constant 144 : index
      %get3A_406 = tpu.vector_load %arg7[%get3A_404, %get3A_405] {strides = array<i32>} : memref<144x256xf32, #tpu.memory_space<vmem>>, vector<1x16xf32>,
      %get3A_407 = vector.shape_cast %get3A_406 : vector<1x16xf32> to vector<16xf32>
      %add3A_408 = arith.addf %while3A_352, %get3A_407 : vector<16xf32>
      %get3A_409 = arith.index_cast %while3A_342 : i32 to index
      %get3A_410 = arith.constant 160 : index
      %get3A_411 = tpu.vector_load %arg7[%get3A_409, %get3A_410] {strides = array<i32>} : memref<144x256xf32, #tpu.memory_space<vmem>>, vector<1x16xf32>,
      %get3A_412 = vector.shape_cast %get3A_411 : vector<1x16xf32> to vector<16xf32>
      %add3A_413 = arith.addf %while3A_353, %get3A_412 : vector<16xf32>
      %get3A_414 = arith.index_cast %while3A_342 : i32 to index
      %get3A_415 = arith.constant 176 : index
      %get3A_416 = tpu.vector_load %arg7[%get3A_414, %get3A_415] {strides = array<i32>} : memref<144x256xf32, #tpu.memory_space<vmem>>, vector<1x16xf32>,
      %get3A_417 = vector.shape_cast %get3A_416 : vector<1x16xf32> to vector<16xf32>
      %add3A_418 = arith.addf %while3A_354, %get3A_417 : vector<16xf32>
      %get3A_419 = arith.index_cast %while3A_342 : i32 to index
      %get3A_420 = arith.constant 192 : index
      %get3A_421 = tpu.vector_load %arg7[%get3A_419, %get3A_420] {strides = array<i32>} : memref<144x256xf32, #tpu.memory_space<vmem>>, vector<1x16xf32>,
      %get3A_422 = vector.shape_cast %get3A_421 : vector<1x16xf32> to vector<16xf32>
      %add3A_423 = arith.addf %while3A_355, %get3A_422 : vector<16xf32>
      %get3A_424 = arith.index_cast %while3A_342 : i32 to index
      %get3A_425 = arith.constant 208 : index
      %get3A_426 = tpu.vector_load %arg7[%get3A_424, %get3A_425] {strides = array<i32>} : memref<144x256xf32, #tpu.memory_space<vmem>>, vector<1x16xf32>,
      %get3A_427 = vector.shape_cast %get3A_426 : vector<1x16xf32> to vector<16xf32>
      %add3A_428 = arith.addf %while3A_356, %get3A_427 : vector<16xf32>
      %get3A_429 = arith.index_cast %while3A_342 : i32 to index
      %get3A_430 = arith.constant 224 : index
      %get3A_431 = tpu.vector_load %arg7[%get3A_429, %get3A_430] {strides = array<i32>} : memref<144x256xf32, #tpu.memory_space<vmem>>, vector<1x16xf32>,
      %get3A_432 = vector.shape_cast %get3A_431 : vector<1x16xf32> to vector<16xf32>
      %add3A_433 = arith.addf %while3A_357, %get3A_432 : vector<16xf32>
      %get3A_434 = arith.index_cast %while3A_342 : i32 to index
      %get3A_435 = arith.constant 240 : index
      %get3A_436 = tpu.vector_load %arg7[%get3A_434, %get3A_435] {strides = array<i32>} : memref<144x256xf32, #tpu.memory_space<vmem>>, vector<1x16xf32>,
      %get3A_437 = vector.shape_cast %get3A_436 : vector<1x16xf32> to vector<16xf32>
      %add3A_438 = arith.addf %while3A_358, %get3A_437 : vector<16xf32>
      scf.yield %add3A_363, %add3A_368, %add3A_373, %add3A_378, %add3A_383, %add3A_388, %add3A_393, %add3A_398, %add3A_403, %add3A_408, %add3A_413, %add3A_418, %add3A_423, %add3A_428, %add3A_433, %add3A_438 : vector<16xf32>, vector<16xf32>, vector<16xf32>, vector<16xf32>, vector<16xf32>, vector<16xf32>, vector<16xf32>, vector<16xf32>, vector<16xf32>, vector<16xf32>, vector<16xf32>, vector<16xf32>, vector<16xf32>, vector<16xf32>, vector<16xf32>, vector<16xf32>
    }
    %while3A_169 = arith.constant 1 : i32
    %while3A_170:16 = scf.for %while3A_342 = %while3A_166 to %while3A_162 step %while3A_169 iter_args(%while3A_343 = %while3A_168#0, %while3A_344 = %while3A_168#1, %while3A_345 = %while3A_168#2, %while3A_346 = %while3A_168#3, %while3A_347 = %while3A_168#4, %while3A_348 = %while3A_168#5, %while3A_349 = %while3A_168#6, %while3A_350 = %while3A_168#7, %while3A_351 = %while3A_168#8, %while3A_352 = %while3A_168#9, %while3A_353 = %while3A_168#10, %while3A_354 = %while3A_168#11, %while3A_355 = %while3A_168#12, %while3A_356 = %while3A_168#13, %while3A_357 = %while3A_168#14, %while3A_358 = %while3A_168#15) -> (vector<16xf32>, vector<16xf32>, vector<16xf32>, vector<16xf32>, vector<16xf32>, vector<16xf32>, vector<16xf32>, vector<16xf32>, vector<16xf32>, vector<16xf32>, vector<16xf32>, vector<16xf32>, vector<16xf32>, vector<16xf32>, vector<16xf32>, vector<16xf32>)  : i32 {
      %get3A_359 = arith.index_cast %while3A_342 : i32 to index
      %get3A_360 = arith.constant 0 : index
      %get3A_361 = tpu.vector_load %arg7[%get3A_359, %get3A_360] {strides = array<i32>} : memref<144x256xf32, #tpu.memory_space<vmem>>, vector<1x16xf32>,
      %get3A_362 = vector.shape_cast %get3A_361 : vector<1x16xf32> to vector<16xf32>
      %add3A_363 = arith.addf %while3A_343, %get3A_362 : vector<16xf32>
      %get3A_364 = arith.index_cast %while3A_342 : i32 to index
      %get3A_365 = arith.constant 16 : index
      %get3A_366 = tpu.vector_load %arg7[%get3A_364, %get3A_365] {strides = array<i32>} : memref<144x256xf32, #tpu.memory_space<vmem>>, vector<1x16xf32>,
      %get3A_367 = vector.shape_cast %get3A_366 : vector<1x16xf32> to vector<16xf32>
      %add3A_368 = arith.addf %while3A_344, %get3A_367 : vector<16xf32>
      %get3A_369 = arith.index_cast %while3A_342 : i32 to index
      %get3A_370 = arith.constant 32 : index
      %get3A_371 = tpu.vector_load %arg7[%get3A_369, %get3A_370] {strides = array<i32>} : memref<144x256xf32, #tpu.memory_space<vmem>>, vector<1x16xf32>,
      %get3A_372 = vector.shape_cast %get3A_371 : vector<1x16xf32> to vector<16xf32>
      %add3A_373 = arith.addf %while3A_345, %get3A_372 : vector<16xf32>
      %get3A_374 = arith.index_cast %while3A_342 : i32 to index
      %get3A_375 = arith.constant 48 : index
      %get3A_376 = tpu.vector_load %arg7[%get3A_374, %get3A_375] {strides = array<i32>} : memref<144x256xf32, #tpu.memory_space<vmem>>, vector<1x16xf32>,
      %get3A_377 = vector.shape_cast %get3A_376 : vector<1x16xf32> to vector<16xf32>
      %add3A_378 = arith.addf %while3A_346, %get3A_377 : vector<16xf32>
      %get3A_379 = arith.index_cast %while3A_342 : i32 to index
      %get3A_380 = arith.constant 64 : index
      %get3A_381 = tpu.vector_load %arg7[%get3A_379, %get3A_380] {strides = array<i32>} : memref<144x256xf32, #tpu.memory_space<vmem>>, vector<1x16xf32>,
      %get3A_382 = vector.shape_cast %get3A_381 : vector<1x16xf32> to vector<16xf32>
      %add3A_383 = arith.addf %while3A_347, %get3A_382 : vector<16xf32>
      %get3A_384 = arith.index_cast %while3A_342 : i32 to index
      %get3A_385 = arith.constant 80 : index
      %get3A_386 = tpu.vector_load %arg7[%get3A_384, %get3A_385] {strides = array<i32>} : memref<144x256xf32, #tpu.memory_space<vmem>>, vector<1x16xf32>,
      %get3A_387 = vector.shape_cast %get3A_386 : vector<1x16xf32> to vector<16xf32>
      %add3A_388 = arith.addf %while3A_348, %get3A_387 : vector<16xf32>
      %get3A_389 = arith.index_cast %while3A_342 : i32 to index
      %get3A_390 = arith.constant 96 : index
      %get3A_391 = tpu.vector_load %arg7[%get3A_389, %get3A_390] {strides = array<i32>} : memref<144x256xf32, #tpu.memory_space<vmem>>, vector<1x16xf32>,
      %get3A_392 = vector.shape_cast %get3A_391 : vector<1x16xf32> to vector<16xf32>
      %add3A_393 = arith.addf %while3A_349, %get3A_392 : vector<16xf32>
      %get3A_394 = arith.index_cast %while3A_342 : i32 to index
      %get3A_395 = arith.constant 112 : index
      %get3A_396 = tpu.vector_load %arg7[%get3A_394, %get3A_395] {strides = array<i32>} : memref<144x256xf32, #tpu.memory_space<vmem>>, vector<1x16xf32>,
      %get3A_397 = vector.shape_cast %get3A_396 : vector<1x16xf32> to vector<16xf32>
      %add3A_398 = arith.addf %while3A_350, %get3A_397 : vector<16xf32>
      %get3A_399 = arith.index_cast %while3A_342 : i32 to index
      %get3A_400 = arith.constant 128 : index
      %get3A_401 = tpu.vector_load %arg7[%get3A_399, %get3A_400] {strides = array<i32>} : memref<144x256xf32, #tpu.memory_space<vmem>>, vector<1x16xf32>,
      %get3A_402 = vector.shape_cast %get3A_401 : vector<1x16xf32> to vector<16xf32>
      %add3A_403 = arith.addf %while3A_351, %get3A_402 : vector<16xf32>
      %get3A_404 = arith.index_cast %while3A_342 : i32 to index
      %get3A_405 = arith.constant 144 : index
      %get3A_406 = tpu.vector_load %arg7[%get3A_404, %get3A_405] {strides = array<i32>} : memref<144x256xf32, #tpu.memory_space<vmem>>, vector<1x16xf32>,
      %get3A_407 = vector.shape_cast %get3A_406 : vector<1x16xf32> to vector<16xf32>
      %add3A_408 = arith.addf %while3A_352, %get3A_407 : vector<16xf32>
      %get3A_409 = arith.index_cast %while3A_342 : i32 to index
      %get3A_410 = arith.constant 160 : index
      %get3A_411 = tpu.vector_load %arg7[%get3A_409, %get3A_410] {strides = array<i32>} : memref<144x256xf32, #tpu.memory_space<vmem>>, vector<1x16xf32>,
      %get3A_412 = vector.shape_cast %get3A_411 : vector<1x16xf32> to vector<16xf32>
      %add3A_413 = arith.addf %while3A_353, %get3A_412 : vector<16xf32>
      %get3A_414 = arith.index_cast %while3A_342 : i32 to index
      %get3A_415 = arith.constant 176 : index
      %get3A_416 = tpu.vector_load %arg7[%get3A_414, %get3A_415] {strides = array<i32>} : memref<144x256xf32, #tpu.memory_space<vmem>>, vector<1x16xf32>,
      %get3A_417 = vector.shape_cast %get3A_416 : vector<1x16xf32> to vector<16xf32>
      %add3A_418 = arith.addf %while3A_354, %get3A_417 : vector<16xf32>
      %get3A_419 = arith.index_cast %while3A_342 : i32 to index
      %get3A_420 = arith.constant 192 : index
      %get3A_421 = tpu.vector_load %arg7[%get3A_419, %get3A_420] {strides = array<i32>} : memref<144x256xf32, #tpu.memory_space<vmem>>, vector<1x16xf32>,
      %get3A_422 = vector.shape_cast %get3A_421 : vector<1x16xf32> to vector<16xf32>
      %add3A_423 = arith.addf %while3A_355, %get3A_422 : vector<16xf32>
      %get3A_424 = arith.index_cast %while3A_342 : i32 to index
      %get3A_425 = arith.constant 208 : index
      %get3A_426 = tpu.vector_load %arg7[%get3A_424, %get3A_425] {strides = array<i32>} : memref<144x256xf32, #tpu.memory_space<vmem>>, vector<1x16xf32>,
      %get3A_427 = vector.shape_cast %get3A_426 : vector<1x16xf32> to vector<16xf32>
      %add3A_428 = arith.addf %while3A_356, %get3A_427 : vector<16xf32>
      %get3A_429 = arith.index_cast %while3A_342 : i32 to index
      %get3A_430 = arith.constant 224 : index
      %get3A_431 = tpu.vector_load %arg7[%get3A_429, %get3A_430] {strides = array<i32>} : memref<144x256xf32, #tpu.memory_space<vmem>>, vector<1x16xf32>,
      %get3A_432 = vector.shape_cast %get3A_431 : vector<1x16xf32> to vector<16xf32>
      %add3A_433 = arith.addf %while3A_357, %get3A_432 : vector<16xf32>
      %get3A_434 = arith.index_cast %while3A_342 : i32 to index
      %get3A_435 = arith.constant 240 : index
      %get3A_436 = tpu.vector_load %arg7[%get3A_434, %get3A_435] {strides = array<i32>} : memref<144x256xf32, #tpu.memory_space<vmem>>, vector<1x16xf32>,
      %get3A_437 = vector.shape_cast %get3A_436 : vector<1x16xf32> to vector<16xf32>
      %add3A_438 = arith.addf %while3A_358, %get3A_437 : vector<16xf32>
      scf.yield %add3A_363, %add3A_368, %add3A_373, %add3A_378, %add3A_383, %add3A_388, %add3A_393, %add3A_398, %add3A_403, %add3A_408, %add3A_413, %add3A_418, %add3A_423, %add3A_428, %add3A_433, %add3A_438 : vector<16xf32>, vector<16xf32>, vector<16xf32>, vector<16xf32>, vector<16xf32>, vector<16xf32>, vector<16xf32>, vector<16xf32>, vector<16xf32>, vector<16xf32>, vector<16xf32>, vector<16xf32>, vector<16xf32>, vector<16xf32>, vector<16xf32>, vector<16xf32>
    }
    %gt3A_171 = arith.constant 72 : i32
    %gt3A_172 = arith.cmpi sgt, %add3A_62, %gt3A_171 : i32
    %convert_element_type3A_173 = arith.extui %gt3A_172 : i1 to i32
    %cond3A_174 = arith.constant 3 : i32
    %cond3A_175 = arith.constant 0 : i32
    %cond3A_176 = arith.cmpi ne, %convert_element_type3A_173, %cond3A_175 : i32
    scf.if %cond3A_176 {
      %dma_wait3A_342 = arith.constant 72 : i32
      %dma_wait3A_343 = arith.constant 0 : i32
      %dma_wait3A_344 = tpu.memref_slice %arg7[%dma_wait3A_342, %dma_wait3A_343] : memref<144x256xf32, #tpu.memory_space<vmem>> -> memref<72x256xf32, #tpu.memory_space<vmem>>
      %dma_wait3A_345 = tpu.memref_slice %arg2[%cond3A_174, %add3A_64, %mul3A_32] : memref<4x2048x512xf32, #tpu.memory_space<hbm>> -> memref<1x72x256xf32, #tpu.memory_space<hbm>>
      %dma_wait3A_346 = tpu.memref_squeeze %dma_wait3A_345 : memref<1x72x256xf32, #tpu.memory_space<hbm>> -> memref<72x256xf32, #tpu.memory_space<hbm>>
      %dma_wait3A_347 = arith.constant 72 : i32
      %dma_wait3A_348 = arith.constant 0 : i32
      %dma_wait3A_349 = tpu.memref_slice %arg7[%dma_wait3A_347, %dma_wait3A_348] : memref<144x256xf32, #tpu.memory_space<vmem>> -> memref<72x256xf32, #tpu.memory_space<vmem>>
      %dma_wait3A_350 = tpu.memref_slice %arg2[%cond3A_174, %add3A_64, %mul3A_32] : memref<4x2048x512xf32, #tpu.memory_space<hbm>> -> memref<1x72x256xf32, #tpu.memory_space<hbm>>
      %dma_wait3A_351 = tpu.memref_squeeze %dma_wait3A_350 : memref<1x72x256xf32, #tpu.memory_space<hbm>> -> memref<72x256xf32, #tpu.memory_space<hbm>>
      tpu.wait_dma2 semaphore(%arg11 : memref<!tpu.dma_semaphore, #tpu.memory_space<semaphore_mem>>) src(%dma_wait3A_351 : memref<72x256xf32, #tpu.memory_space<hbm>>) dst(%dma_wait3A_349 : memref<72x256xf32, #tpu.memory_space<vmem>>)
    } else {
    }
    %max3A_177 = arith.constant 72 : i32
    %max3A_178 = arith.maxsi %add3A_62, %max3A_177 : i32
    %sub3A_179 = arith.constant 72 : i32
    %sub3A_180 = arith.subi %max3A_178, %sub3A_179 : i32
    %max3A_181 = arith.constant 0 : i32
    %max3A_182 = arith.maxsi %sub3A_180, %max3A_181 : i32
    %jit3A_183 = arith.constant 2 : i32
    %div3A_184 = arith.divsi %max3A_182, %jit3A_183 : i32
    %sign3A_185 = arith.constant 0 : i32
    %sign3A_186 = arith.cmpi sgt, %max3A_182, %sign3A_185 : i32
    %sign3A_187 = arith.extui %sign3A_186 : i1 to i32
    %sign3A_188 = arith.constant 0 : i32
    %sign3A_189 = arith.cmpi slt, %max3A_182, %sign3A_188 : i32
    %sign3A_190 = arith.extui %sign3A_189 : i1 to i32
    %sign3A_191 = arith.subi %sign3A_187, %sign3A_190 : i32
    %sign3A_192 = arith.constant 0 : i32
    %sign3A_193 = arith.cmpi sgt, %jit3A_183, %sign3A_192 : i32
    %sign3A_194 = arith.extui %sign3A_193 : i1 to i32
    %sign3A_195 = arith.constant 0 : i32
    %sign3A_196 = arith.cmpi slt, %jit3A_183, %sign3A_195 : i32
    %sign3A_197 = arith.extui %sign3A_196 : i1 to i32
    %sign3A_198 = arith.subi %sign3A_194, %sign3A_197 : i32
    %ne3A_199 = arith.cmpi ne, %sign3A_191, %sign3A_198 : i32
    %rem3A_200 = arith.remsi %max3A_182, %jit3A_183 : i32
    %ne3A_201 = arith.constant 0 : i32
    %ne3A_202 = arith.cmpi ne, %rem3A_200, %ne3A_201 : i32
    %and3A_203 = arith.andi %ne3A_199, %ne3A_202 : i1
    %sub3A_204 = arith.constant 1 : i32
    %sub3A_205 = arith.subi %div3A_184, %sub3A_204 : i32
    %select_n3A_206 = arith.select %and3A_203, %sub3A_205, %div3A_184 : i32
    %while3A_207 = arith.constant 0 : i32
    %while3A_208 = arith.subi %select_n3A_206, %while3A_207 : i32
    %while3A_209 = arith.addi %while3A_207, %while3A_208 : i32
    %while3A_210 = arith.constant 1 : i32
    %while3A_211 = arith.divsi %while3A_208, %while3A_210 : i32
    %while3A_212 = arith.muli %while3A_211, %while3A_210 : i32
    %while3A_213 = arith.addi %while3A_207, %while3A_212 : i32
    %while3A_214 = arith.constant 1 : i32
    %while3A_215:16 = scf.for %while3A_342 = %while3A_207 to %while3A_213 step %while3A_214 iter_args(%while3A_343 = %while3A_170#0, %while3A_344 = %while3A_170#1, %while3A_345 = %while3A_170#2, %while3A_346 = %while3A_170#3, %while3A_347 = %while3A_170#4, %while3A_348 = %while3A_170#5, %while3A_349 = %while3A_170#6, %while3A_350 = %while3A_170#7, %while3A_351 = %while3A_170#8, %while3A_352 = %while3A_170#9, %while3A_353 = %while3A_170#10, %while3A_354 = %while3A_170#11, %while3A_355 = %while3A_170#12, %while3A_356 = %while3A_170#13, %while3A_357 = %while3A_170#14, %while3A_358 = %while3A_170#15) -> (vector<16xf32>, vector<16xf32>, vector<16xf32>, vector<16xf32>, vector<16xf32>, vector<16xf32>, vector<16xf32>, vector<16xf32>, vector<16xf32>, vector<16xf32>, vector<16xf32>, vector<16xf32>, vector<16xf32>, vector<16xf32>, vector<16xf32>, vector<16xf32>)  : i32 {
      %mul3A_359 = arith.constant 2 : i32
      %mul3A_360 = arith.muli %mul3A_359, %while3A_342 : i32
      %add3A_361 = arith.constant 72 : i32
      %add3A_362 = arith.addi %add3A_361, %mul3A_360 : i32
      %get3A_363 = arith.index_cast %add3A_362 : i32 to index
      %get3A_364 = arith.constant 0 : index
      %get3A_365 = tpu.vector_load %arg7[%get3A_363, %get3A_364] {strides = array<i32>} : memref<144x256xf32, #tpu.memory_space<vmem>>, vector<1x16xf32>,
      %get3A_366 = vector.shape_cast %get3A_365 : vector<1x16xf32> to vector<16xf32>
      %add3A_367 = arith.addf %while3A_343, %get3A_366 : vector<16xf32>
      %add3A_368 = arith.constant 1 : i32
      %add3A_369 = arith.addi %add3A_362, %add3A_368 : i32
      %get3A_370 = arith.index_cast %add3A_369 : i32 to index
      %get3A_371 = arith.constant 0 : index
      %get3A_372 = tpu.vector_load %arg7[%get3A_370, %get3A_371] {strides = array<i32>} : memref<144x256xf32, #tpu.memory_space<vmem>>, vector<1x16xf32>,
      %get3A_373 = vector.shape_cast %get3A_372 : vector<1x16xf32> to vector<16xf32>
      %add3A_374 = arith.addf %add3A_367, %get3A_373 : vector<16xf32>
      %get3A_375 = arith.index_cast %add3A_362 : i32 to index
      %get3A_376 = arith.constant 16 : index
      %get3A_377 = tpu.vector_load %arg7[%get3A_375, %get3A_376] {strides = array<i32>} : memref<144x256xf32, #tpu.memory_space<vmem>>, vector<1x16xf32>,
      %get3A_378 = vector.shape_cast %get3A_377 : vector<1x16xf32> to vector<16xf32>
      %add3A_379 = arith.addf %while3A_344, %get3A_378 : vector<16xf32>
      %add3A_380 = arith.constant 1 : i32
      %add3A_381 = arith.addi %add3A_362, %add3A_380 : i32
      %get3A_382 = arith.index_cast %add3A_381 : i32 to index
      %get3A_383 = arith.constant 16 : index
      %get3A_384 = tpu.vector_load %arg7[%get3A_382, %get3A_383] {strides = array<i32>} : memref<144x256xf32, #tpu.memory_space<vmem>>, vector<1x16xf32>,
      %get3A_385 = vector.shape_cast %get3A_384 : vector<1x16xf32> to vector<16xf32>
      %add3A_386 = arith.addf %add3A_379, %get3A_385 : vector<16xf32>
      %get3A_387 = arith.index_cast %add3A_362 : i32 to index
      %get3A_388 = arith.constant 32 : index
      %get3A_389 = tpu.vector_load %arg7[%get3A_387, %get3A_388] {strides = array<i32>} : memref<144x256xf32, #tpu.memory_space<vmem>>, vector<1x16xf32>,
      %get3A_390 = vector.shape_cast %get3A_389 : vector<1x16xf32> to vector<16xf32>
      %add3A_391 = arith.addf %while3A_345, %get3A_390 : vector<16xf32>
      %add3A_392 = arith.constant 1 : i32
      %add3A_393 = arith.addi %add3A_362, %add3A_392 : i32
      %get3A_394 = arith.index_cast %add3A_393 : i32 to index
      %get3A_395 = arith.constant 32 : index
      %get3A_396 = tpu.vector_load %arg7[%get3A_394, %get3A_395] {strides = array<i32>} : memref<144x256xf32, #tpu.memory_space<vmem>>, vector<1x16xf32>,
      %get3A_397 = vector.shape_cast %get3A_396 : vector<1x16xf32> to vector<16xf32>
      %add3A_398 = arith.addf %add3A_391, %get3A_397 : vector<16xf32>
      %get3A_399 = arith.index_cast %add3A_362 : i32 to index
      %get3A_400 = arith.constant 48 : index
      %get3A_401 = tpu.vector_load %arg7[%get3A_399, %get3A_400] {strides = array<i32>} : memref<144x256xf32, #tpu.memory_space<vmem>>, vector<1x16xf32>,
      %get3A_402 = vector.shape_cast %get3A_401 : vector<1x16xf32> to vector<16xf32>
      %add3A_403 = arith.addf %while3A_346, %get3A_402 : vector<16xf32>
      %add3A_404 = arith.constant 1 : i32
      %add3A_405 = arith.addi %add3A_362, %add3A_404 : i32
      %get3A_406 = arith.index_cast %add3A_405 : i32 to index
      %get3A_407 = arith.constant 48 : index
      %get3A_408 = tpu.vector_load %arg7[%get3A_406, %get3A_407] {strides = array<i32>} : memref<144x256xf32, #tpu.memory_space<vmem>>, vector<1x16xf32>,
      %get3A_409 = vector.shape_cast %get3A_408 : vector<1x16xf32> to vector<16xf32>
      %add3A_410 = arith.addf %add3A_403, %get3A_409 : vector<16xf32>
      %get3A_411 = arith.index_cast %add3A_362 : i32 to index
      %get3A_412 = arith.constant 64 : index
      %get3A_413 = tpu.vector_load %arg7[%get3A_411, %get3A_412] {strides = array<i32>} : memref<144x256xf32, #tpu.memory_space<vmem>>, vector<1x16xf32>,
      %get3A_414 = vector.shape_cast %get3A_413 : vector<1x16xf32> to vector<16xf32>
      %add3A_415 = arith.addf %while3A_347, %get3A_414 : vector<16xf32>
      %add3A_416 = arith.constant 1 : i32
      %add3A_417 = arith.addi %add3A_362, %add3A_416 : i32
      %get3A_418 = arith.index_cast %add3A_417 : i32 to index
      %get3A_419 = arith.constant 64 : index
      %get3A_420 = tpu.vector_load %arg7[%get3A_418, %get3A_419] {strides = array<i32>} : memref<144x256xf32, #tpu.memory_space<vmem>>, vector<1x16xf32>,
      %get3A_421 = vector.shape_cast %get3A_420 : vector<1x16xf32> to vector<16xf32>
      %add3A_422 = arith.addf %add3A_415, %get3A_421 : vector<16xf32>
      %get3A_423 = arith.index_cast %add3A_362 : i32 to index
      %get3A_424 = arith.constant 80 : index
      %get3A_425 = tpu.vector_load %arg7[%get3A_423, %get3A_424] {strides = array<i32>} : memref<144x256xf32, #tpu.memory_space<vmem>>, vector<1x16xf32>,
      %get3A_426 = vector.shape_cast %get3A_425 : vector<1x16xf32> to vector<16xf32>
      %add3A_427 = arith.addf %while3A_348, %get3A_426 : vector<16xf32>
      %add3A_428 = arith.constant 1 : i32
      %add3A_429 = arith.addi %add3A_362, %add3A_428 : i32
      %get3A_430 = arith.index_cast %add3A_429 : i32 to index
      %get3A_431 = arith.constant 80 : index
      %get3A_432 = tpu.vector_load %arg7[%get3A_430, %get3A_431] {strides = array<i32>} : memref<144x256xf32, #tpu.memory_space<vmem>>, vector<1x16xf32>,
      %get3A_433 = vector.shape_cast %get3A_432 : vector<1x16xf32> to vector<16xf32>
      %add3A_434 = arith.addf %add3A_427, %get3A_433 : vector<16xf32>
      %get3A_435 = arith.index_cast %add3A_362 : i32 to index
      %get3A_436 = arith.constant 96 : index
      %get3A_437 = tpu.vector_load %arg7[%get3A_435, %get3A_436] {strides = array<i32>} : memref<144x256xf32, #tpu.memory_space<vmem>>, vector<1x16xf32>,
      %get3A_438 = vector.shape_cast %get3A_437 : vector<1x16xf32> to vector<16xf32>
      %add3A_439 = arith.addf %while3A_349, %get3A_438 : vector<16xf32>
      %add3A_440 = arith.constant 1 : i32
      %add3A_441 = arith.addi %add3A_362, %add3A_440 : i32
      %get3A_442 = arith.index_cast %add3A_441 : i32 to index
      %get3A_443 = arith.constant 96 : index
      %get3A_444 = tpu.vector_load %arg7[%get3A_442, %get3A_443] {strides = array<i32>} : memref<144x256xf32, #tpu.memory_space<vmem>>, vector<1x16xf32>,
      %get3A_445 = vector.shape_cast %get3A_444 : vector<1x16xf32> to vector<16xf32>
      %add3A_446 = arith.addf %add3A_439, %get3A_445 : vector<16xf32>
      %get3A_447 = arith.index_cast %add3A_362 : i32 to index
      %get3A_448 = arith.constant 112 : index
      %get3A_449 = tpu.vector_load %arg7[%get3A_447, %get3A_448] {strides = array<i32>} : memref<144x256xf32, #tpu.memory_space<vmem>>, vector<1x16xf32>,
      %get3A_450 = vector.shape_cast %get3A_449 : vector<1x16xf32> to vector<16xf32>
      %add3A_451 = arith.addf %while3A_350, %get3A_450 : vector<16xf32>
      %add3A_452 = arith.constant 1 : i32
      %add3A_453 = arith.addi %add3A_362, %add3A_452 : i32
      %get3A_454 = arith.index_cast %add3A_453 : i32 to index
      %get3A_455 = arith.constant 112 : index
      %get3A_456 = tpu.vector_load %arg7[%get3A_454, %get3A_455] {strides = array<i32>} : memref<144x256xf32, #tpu.memory_space<vmem>>, vector<1x16xf32>,
      %get3A_457 = vector.shape_cast %get3A_456 : vector<1x16xf32> to vector<16xf32>
      %add3A_458 = arith.addf %add3A_451, %get3A_457 : vector<16xf32>
      %get3A_459 = arith.index_cast %add3A_362 : i32 to index
      %get3A_460 = arith.constant 128 : index
      %get3A_461 = tpu.vector_load %arg7[%get3A_459, %get3A_460] {strides = array<i32>} : memref<144x256xf32, #tpu.memory_space<vmem>>, vector<1x16xf32>,
      %get3A_462 = vector.shape_cast %get3A_461 : vector<1x16xf32> to vector<16xf32>
      %add3A_463 = arith.addf %while3A_351, %get3A_462 : vector<16xf32>
      %add3A_464 = arith.constant 1 : i32
      %add3A_465 = arith.addi %add3A_362, %add3A_464 : i32
      %get3A_466 = arith.index_cast %add3A_465 : i32 to index
      %get3A_467 = arith.constant 128 : index
      %get3A_468 = tpu.vector_load %arg7[%get3A_466, %get3A_467] {strides = array<i32>} : memref<144x256xf32, #tpu.memory_space<vmem>>, vector<1x16xf32>,
      %get3A_469 = vector.shape_cast %get3A_468 : vector<1x16xf32> to vector<16xf32>
      %add3A_470 = arith.addf %add3A_463, %get3A_469 : vector<16xf32>
      %get3A_471 = arith.index_cast %add3A_362 : i32 to index
      %get3A_472 = arith.constant 144 : index
      %get3A_473 = tpu.vector_load %arg7[%get3A_471, %get3A_472] {strides = array<i32>} : memref<144x256xf32, #tpu.memory_space<vmem>>, vector<1x16xf32>,
      %get3A_474 = vector.shape_cast %get3A_473 : vector<1x16xf32> to vector<16xf32>
      %add3A_475 = arith.addf %while3A_352, %get3A_474 : vector<16xf32>
      %add3A_476 = arith.constant 1 : i32
      %add3A_477 = arith.addi %add3A_362, %add3A_476 : i32
      %get3A_478 = arith.index_cast %add3A_477 : i32 to index
      %get3A_479 = arith.constant 144 : index
      %get3A_480 = tpu.vector_load %arg7[%get3A_478, %get3A_479] {strides = array<i32>} : memref<144x256xf32, #tpu.memory_space<vmem>>, vector<1x16xf32>,
      %get3A_481 = vector.shape_cast %get3A_480 : vector<1x16xf32> to vector<16xf32>
      %add3A_482 = arith.addf %add3A_475, %get3A_481 : vector<16xf32>
      %get3A_483 = arith.index_cast %add3A_362 : i32 to index
      %get3A_484 = arith.constant 160 : index
      %get3A_485 = tpu.vector_load %arg7[%get3A_483, %get3A_484] {strides = array<i32>} : memref<144x256xf32, #tpu.memory_space<vmem>>, vector<1x16xf32>,
      %get3A_486 = vector.shape_cast %get3A_485 : vector<1x16xf32> to vector<16xf32>
      %add3A_487 = arith.addf %while3A_353, %get3A_486 : vector<16xf32>
      %add3A_488 = arith.constant 1 : i32
      %add3A_489 = arith.addi %add3A_362, %add3A_488 : i32
      %get3A_490 = arith.index_cast %add3A_489 : i32 to index
      %get3A_491 = arith.constant 160 : index
      %get3A_492 = tpu.vector_load %arg7[%get3A_490, %get3A_491] {strides = array<i32>} : memref<144x256xf32, #tpu.memory_space<vmem>>, vector<1x16xf32>,
      %get3A_493 = vector.shape_cast %get3A_492 : vector<1x16xf32> to vector<16xf32>
      %add3A_494 = arith.addf %add3A_487, %get3A_493 : vector<16xf32>
      %get3A_495 = arith.index_cast %add3A_362 : i32 to index
      %get3A_496 = arith.constant 176 : index
      %get3A_497 = tpu.vector_load %arg7[%get3A_495, %get3A_496] {strides = array<i32>} : memref<144x256xf32, #tpu.memory_space<vmem>>, vector<1x16xf32>,
      %get3A_498 = vector.shape_cast %get3A_497 : vector<1x16xf32> to vector<16xf32>
      %add3A_499 = arith.addf %while3A_354, %get3A_498 : vector<16xf32>
      %add3A_500 = arith.constant 1 : i32
      %add3A_501 = arith.addi %add3A_362, %add3A_500 : i32
      %get3A_502 = arith.index_cast %add3A_501 : i32 to index
      %get3A_503 = arith.constant 176 : index
      %get3A_504 = tpu.vector_load %arg7[%get3A_502, %get3A_503] {strides = array<i32>} : memref<144x256xf32, #tpu.memory_space<vmem>>, vector<1x16xf32>,
      %get3A_505 = vector.shape_cast %get3A_504 : vector<1x16xf32> to vector<16xf32>
      %add3A_506 = arith.addf %add3A_499, %get3A_505 : vector<16xf32>
      %get3A_507 = arith.index_cast %add3A_362 : i32 to index
      %get3A_508 = arith.constant 192 : index
      %get3A_509 = tpu.vector_load %arg7[%get3A_507, %get3A_508] {strides = array<i32>} : memref<144x256xf32, #tpu.memory_space<vmem>>, vector<1x16xf32>,
      %get3A_510 = vector.shape_cast %get3A_509 : vector<1x16xf32> to vector<16xf32>
      %add3A_511 = arith.addf %while3A_355, %get3A_510 : vector<16xf32>
      %add3A_512 = arith.constant 1 : i32
      %add3A_513 = arith.addi %add3A_362, %add3A_512 : i32
      %get3A_514 = arith.index_cast %add3A_513 : i32 to index
      %get3A_515 = arith.constant 192 : index
      %get3A_516 = tpu.vector_load %arg7[%get3A_514, %get3A_515] {strides = array<i32>} : memref<144x256xf32, #tpu.memory_space<vmem>>, vector<1x16xf32>,
      %get3A_517 = vector.shape_cast %get3A_516 : vector<1x16xf32> to vector<16xf32>
      %add3A_518 = arith.addf %add3A_511, %get3A_517 : vector<16xf32>
      %get3A_519 = arith.index_cast %add3A_362 : i32 to index
      %get3A_520 = arith.constant 208 : index
      %get3A_521 = tpu.vector_load %arg7[%get3A_519, %get3A_520] {strides = array<i32>} : memref<144x256xf32, #tpu.memory_space<vmem>>, vector<1x16xf32>,
      %get3A_522 = vector.shape_cast %get3A_521 : vector<1x16xf32> to vector<16xf32>
      %add3A_523 = arith.addf %while3A_356, %get3A_522 : vector<16xf32>
      %add3A_524 = arith.constant 1 : i32
      %add3A_525 = arith.addi %add3A_362, %add3A_524 : i32
      %get3A_526 = arith.index_cast %add3A_525 : i32 to index
      %get3A_527 = arith.constant 208 : index
      %get3A_528 = tpu.vector_load %arg7[%get3A_526, %get3A_527] {strides = array<i32>} : memref<144x256xf32, #tpu.memory_space<vmem>>, vector<1x16xf32>,
      %get3A_529 = vector.shape_cast %get3A_528 : vector<1x16xf32> to vector<16xf32>
      %add3A_530 = arith.addf %add3A_523, %get3A_529 : vector<16xf32>
      %get3A_531 = arith.index_cast %add3A_362 : i32 to index
      %get3A_532 = arith.constant 224 : index
      %get3A_533 = tpu.vector_load %arg7[%get3A_531, %get3A_532] {strides = array<i32>} : memref<144x256xf32, #tpu.memory_space<vmem>>, vector<1x16xf32>,
      %get3A_534 = vector.shape_cast %get3A_533 : vector<1x16xf32> to vector<16xf32>
      %add3A_535 = arith.addf %while3A_357, %get3A_534 : vector<16xf32>
      %add3A_536 = arith.constant 1 : i32
      %add3A_537 = arith.addi %add3A_362, %add3A_536 : i32
      %get3A_538 = arith.index_cast %add3A_537 : i32 to index
      %get3A_539 = arith.constant 224 : index
      %get3A_540 = tpu.vector_load %arg7[%get3A_538, %get3A_539] {strides = array<i32>} : memref<144x256xf32, #tpu.memory_space<vmem>>, vector<1x16xf32>,
      %get3A_541 = vector.shape_cast %get3A_540 : vector<1x16xf32> to vector<16xf32>
      %add3A_542 = arith.addf %add3A_535, %get3A_541 : vector<16xf32>
      %get3A_543 = arith.index_cast %add3A_362 : i32 to index
      %get3A_544 = arith.constant 240 : index
      %get3A_545 = tpu.vector_load %arg7[%get3A_543, %get3A_544] {strides = array<i32>} : memref<144x256xf32, #tpu.memory_space<vmem>>, vector<1x16xf32>,
      %get3A_546 = vector.shape_cast %get3A_545 : vector<1x16xf32> to vector<16xf32>
      %add3A_547 = arith.addf %while3A_358, %get3A_546 : vector<16xf32>
      %add3A_548 = arith.constant 1 : i32
      %add3A_549 = arith.addi %add3A_362, %add3A_548 : i32
      %get3A_550 = arith.index_cast %add3A_549 : i32 to index
      %get3A_551 = arith.constant 240 : index
      %get3A_552 = tpu.vector_load %arg7[%get3A_550, %get3A_551] {strides = array<i32>} : memref<144x256xf32, #tpu.memory_space<vmem>>, vector<1x16xf32>,
      %get3A_553 = vector.shape_cast %get3A_552 : vector<1x16xf32> to vector<16xf32>
      %add3A_554 = arith.addf %add3A_547, %get3A_553 : vector<16xf32>
      scf.yield %add3A_374, %add3A_386, %add3A_398, %add3A_410, %add3A_422, %add3A_434, %add3A_446, %add3A_458, %add3A_470, %add3A_482, %add3A_494, %add3A_506, %add3A_518, %add3A_530, %add3A_542, %add3A_554 : vector<16xf32>, vector<16xf32>, vector<16xf32>, vector<16xf32>, vector<16xf32>, vector<16xf32>, vector<16xf32>, vector<16xf32>, vector<16xf32>, vector<16xf32>, vector<16xf32>, vector<16xf32>, vector<16xf32>, vector<16xf32>, vector<16xf32>, vector<16xf32>
    }
    %while3A_216 = arith.constant 1 : i32
    %while3A_217:16 = scf.for %while3A_342 = %while3A_213 to %while3A_209 step %while3A_216 iter_args(%while3A_343 = %while3A_215#0, %while3A_344 = %while3A_215#1, %while3A_345 = %while3A_215#2, %while3A_346 = %while3A_215#3, %while3A_347 = %while3A_215#4, %while3A_348 = %while3A_215#5, %while3A_349 = %while3A_215#6, %while3A_350 = %while3A_215#7, %while3A_351 = %while3A_215#8, %while3A_352 = %while3A_215#9, %while3A_353 = %while3A_215#10, %while3A_354 = %while3A_215#11, %while3A_355 = %while3A_215#12, %while3A_356 = %while3A_215#13, %while3A_357 = %while3A_215#14, %while3A_358 = %while3A_215#15) -> (vector<16xf32>, vector<16xf32>, vector<16xf32>, vector<16xf32>, vector<16xf32>, vector<16xf32>, vector<16xf32>, vector<16xf32>, vector<16xf32>, vector<16xf32>, vector<16xf32>, vector<16xf32>, vector<16xf32>, vector<16xf32>, vector<16xf32>, vector<16xf32>)  : i32 {
      %mul3A_359 = arith.constant 2 : i32
      %mul3A_360 = arith.muli %mul3A_359, %while3A_342 : i32
      %add3A_361 = arith.constant 72 : i32
      %add3A_362 = arith.addi %add3A_361, %mul3A_360 : i32
      %get3A_363 = arith.index_cast %add3A_362 : i32 to index
      %get3A_364 = arith.constant 0 : index
      %get3A_365 = tpu.vector_load %arg7[%get3A_363, %get3A_364] {strides = array<i32>} : memref<144x256xf32, #tpu.memory_space<vmem>>, vector<1x16xf32>,
      %get3A_366 = vector.shape_cast %get3A_365 : vector<1x16xf32> to vector<16xf32>
      %add3A_367 = arith.addf %while3A_343, %get3A_366 : vector<16xf32>
      %add3A_368 = arith.constant 1 : i32
      %add3A_369 = arith.addi %add3A_362, %add3A_368 : i32
      %get3A_370 = arith.index_cast %add3A_369 : i32 to index
      %get3A_371 = arith.constant 0 : index
      %get3A_372 = tpu.vector_load %arg7[%get3A_370, %get3A_371] {strides = array<i32>} : memref<144x256xf32, #tpu.memory_space<vmem>>, vector<1x16xf32>,
      %get3A_373 = vector.shape_cast %get3A_372 : vector<1x16xf32> to vector<16xf32>
      %add3A_374 = arith.addf %add3A_367, %get3A_373 : vector<16xf32>
      %get3A_375 = arith.index_cast %add3A_362 : i32 to index
      %get3A_376 = arith.constant 16 : index
      %get3A_377 = tpu.vector_load %arg7[%get3A_375, %get3A_376] {strides = array<i32>} : memref<144x256xf32, #tpu.memory_space<vmem>>, vector<1x16xf32>,
      %get3A_378 = vector.shape_cast %get3A_377 : vector<1x16xf32> to vector<16xf32>
      %add3A_379 = arith.addf %while3A_344, %get3A_378 : vector<16xf32>
      %add3A_380 = arith.constant 1 : i32
      %add3A_381 = arith.addi %add3A_362, %add3A_380 : i32
      %get3A_382 = arith.index_cast %add3A_381 : i32 to index
      %get3A_383 = arith.constant 16 : index
      %get3A_384 = tpu.vector_load %arg7[%get3A_382, %get3A_383] {strides = array<i32>} : memref<144x256xf32, #tpu.memory_space<vmem>>, vector<1x16xf32>,
      %get3A_385 = vector.shape_cast %get3A_384 : vector<1x16xf32> to vector<16xf32>
      %add3A_386 = arith.addf %add3A_379, %get3A_385 : vector<16xf32>
      %get3A_387 = arith.index_cast %add3A_362 : i32 to index
      %get3A_388 = arith.constant 32 : index
      %get3A_389 = tpu.vector_load %arg7[%get3A_387, %get3A_388] {strides = array<i32>} : memref<144x256xf32, #tpu.memory_space<vmem>>, vector<1x16xf32>,
      %get3A_390 = vector.shape_cast %get3A_389 : vector<1x16xf32> to vector<16xf32>
      %add3A_391 = arith.addf %while3A_345, %get3A_390 : vector<16xf32>
      %add3A_392 = arith.constant 1 : i32
      %add3A_393 = arith.addi %add3A_362, %add3A_392 : i32
      %get3A_394 = arith.index_cast %add3A_393 : i32 to index
      %get3A_395 = arith.constant 32 : index
      %get3A_396 = tpu.vector_load %arg7[%get3A_394, %get3A_395] {strides = array<i32>} : memref<144x256xf32, #tpu.memory_space<vmem>>, vector<1x16xf32>,
      %get3A_397 = vector.shape_cast %get3A_396 : vector<1x16xf32> to vector<16xf32>
      %add3A_398 = arith.addf %add3A_391, %get3A_397 : vector<16xf32>
      %get3A_399 = arith.index_cast %add3A_362 : i32 to index
      %get3A_400 = arith.constant 48 : index
      %get3A_401 = tpu.vector_load %arg7[%get3A_399, %get3A_400] {strides = array<i32>} : memref<144x256xf32, #tpu.memory_space<vmem>>, vector<1x16xf32>,
      %get3A_402 = vector.shape_cast %get3A_401 : vector<1x16xf32> to vector<16xf32>
      %add3A_403 = arith.addf %while3A_346, %get3A_402 : vector<16xf32>
      %add3A_404 = arith.constant 1 : i32
      %add3A_405 = arith.addi %add3A_362, %add3A_404 : i32
      %get3A_406 = arith.index_cast %add3A_405 : i32 to index
      %get3A_407 = arith.constant 48 : index
      %get3A_408 = tpu.vector_load %arg7[%get3A_406, %get3A_407] {strides = array<i32>} : memref<144x256xf32, #tpu.memory_space<vmem>>, vector<1x16xf32>,
      %get3A_409 = vector.shape_cast %get3A_408 : vector<1x16xf32> to vector<16xf32>
      %add3A_410 = arith.addf %add3A_403, %get3A_409 : vector<16xf32>
      %get3A_411 = arith.index_cast %add3A_362 : i32 to index
      %get3A_412 = arith.constant 64 : index
      %get3A_413 = tpu.vector_load %arg7[%get3A_411, %get3A_412] {strides = array<i32>} : memref<144x256xf32, #tpu.memory_space<vmem>>, vector<1x16xf32>,
      %get3A_414 = vector.shape_cast %get3A_413 : vector<1x16xf32> to vector<16xf32>
      %add3A_415 = arith.addf %while3A_347, %get3A_414 : vector<16xf32>
      %add3A_416 = arith.constant 1 : i32
      %add3A_417 = arith.addi %add3A_362, %add3A_416 : i32
      %get3A_418 = arith.index_cast %add3A_417 : i32 to index
      %get3A_419 = arith.constant 64 : index
      %get3A_420 = tpu.vector_load %arg7[%get3A_418, %get3A_419] {strides = array<i32>} : memref<144x256xf32, #tpu.memory_space<vmem>>, vector<1x16xf32>,
      %get3A_421 = vector.shape_cast %get3A_420 : vector<1x16xf32> to vector<16xf32>
      %add3A_422 = arith.addf %add3A_415, %get3A_421 : vector<16xf32>
      %get3A_423 = arith.index_cast %add3A_362 : i32 to index
      %get3A_424 = arith.constant 80 : index
      %get3A_425 = tpu.vector_load %arg7[%get3A_423, %get3A_424] {strides = array<i32>} : memref<144x256xf32, #tpu.memory_space<vmem>>, vector<1x16xf32>,
      %get3A_426 = vector.shape_cast %get3A_425 : vector<1x16xf32> to vector<16xf32>
      %add3A_427 = arith.addf %while3A_348, %get3A_426 : vector<16xf32>
      %add3A_428 = arith.constant 1 : i32
      %add3A_429 = arith.addi %add3A_362, %add3A_428 : i32
      %get3A_430 = arith.index_cast %add3A_429 : i32 to index
      %get3A_431 = arith.constant 80 : index
      %get3A_432 = tpu.vector_load %arg7[%get3A_430, %get3A_431] {strides = array<i32>} : memref<144x256xf32, #tpu.memory_space<vmem>>, vector<1x16xf32>,
      %get3A_433 = vector.shape_cast %get3A_432 : vector<1x16xf32> to vector<16xf32>
      %add3A_434 = arith.addf %add3A_427, %get3A_433 : vector<16xf32>
      %get3A_435 = arith.index_cast %add3A_362 : i32 to index
      %get3A_436 = arith.constant 96 : index
      %get3A_437 = tpu.vector_load %arg7[%get3A_435, %get3A_436] {strides = array<i32>} : memref<144x256xf32, #tpu.memory_space<vmem>>, vector<1x16xf32>,
      %get3A_438 = vector.shape_cast %get3A_437 : vector<1x16xf32> to vector<16xf32>
      %add3A_439 = arith.addf %while3A_349, %get3A_438 : vector<16xf32>
      %add3A_440 = arith.constant 1 : i32
      %add3A_441 = arith.addi %add3A_362, %add3A_440 : i32
      %get3A_442 = arith.index_cast %add3A_441 : i32 to index
      %get3A_443 = arith.constant 96 : index
      %get3A_444 = tpu.vector_load %arg7[%get3A_442, %get3A_443] {strides = array<i32>} : memref<144x256xf32, #tpu.memory_space<vmem>>, vector<1x16xf32>,
      %get3A_445 = vector.shape_cast %get3A_444 : vector<1x16xf32> to vector<16xf32>
      %add3A_446 = arith.addf %add3A_439, %get3A_445 : vector<16xf32>
      %get3A_447 = arith.index_cast %add3A_362 : i32 to index
      %get3A_448 = arith.constant 112 : index
      %get3A_449 = tpu.vector_load %arg7[%get3A_447, %get3A_448] {strides = array<i32>} : memref<144x256xf32, #tpu.memory_space<vmem>>, vector<1x16xf32>,
      %get3A_450 = vector.shape_cast %get3A_449 : vector<1x16xf32> to vector<16xf32>
      %add3A_451 = arith.addf %while3A_350, %get3A_450 : vector<16xf32>
      %add3A_452 = arith.constant 1 : i32
      %add3A_453 = arith.addi %add3A_362, %add3A_452 : i32
      %get3A_454 = arith.index_cast %add3A_453 : i32 to index
      %get3A_455 = arith.constant 112 : index
      %get3A_456 = tpu.vector_load %arg7[%get3A_454, %get3A_455] {strides = array<i32>} : memref<144x256xf32, #tpu.memory_space<vmem>>, vector<1x16xf32>,
      %get3A_457 = vector.shape_cast %get3A_456 : vector<1x16xf32> to vector<16xf32>
      %add3A_458 = arith.addf %add3A_451, %get3A_457 : vector<16xf32>
      %get3A_459 = arith.index_cast %add3A_362 : i32 to index
      %get3A_460 = arith.constant 128 : index
      %get3A_461 = tpu.vector_load %arg7[%get3A_459, %get3A_460] {strides = array<i32>} : memref<144x256xf32, #tpu.memory_space<vmem>>, vector<1x16xf32>,
      %get3A_462 = vector.shape_cast %get3A_461 : vector<1x16xf32> to vector<16xf32>
      %add3A_463 = arith.addf %while3A_351, %get3A_462 : vector<16xf32>
      %add3A_464 = arith.constant 1 : i32
      %add3A_465 = arith.addi %add3A_362, %add3A_464 : i32
      %get3A_466 = arith.index_cast %add3A_465 : i32 to index
      %get3A_467 = arith.constant 128 : index
      %get3A_468 = tpu.vector_load %arg7[%get3A_466, %get3A_467] {strides = array<i32>} : memref<144x256xf32, #tpu.memory_space<vmem>>, vector<1x16xf32>,
      %get3A_469 = vector.shape_cast %get3A_468 : vector<1x16xf32> to vector<16xf32>
      %add3A_470 = arith.addf %add3A_463, %get3A_469 : vector<16xf32>
      %get3A_471 = arith.index_cast %add3A_362 : i32 to index
      %get3A_472 = arith.constant 144 : index
      %get3A_473 = tpu.vector_load %arg7[%get3A_471, %get3A_472] {strides = array<i32>} : memref<144x256xf32, #tpu.memory_space<vmem>>, vector<1x16xf32>,
      %get3A_474 = vector.shape_cast %get3A_473 : vector<1x16xf32> to vector<16xf32>
      %add3A_475 = arith.addf %while3A_352, %get3A_474 : vector<16xf32>
      %add3A_476 = arith.constant 1 : i32
      %add3A_477 = arith.addi %add3A_362, %add3A_476 : i32
      %get3A_478 = arith.index_cast %add3A_477 : i32 to index
      %get3A_479 = arith.constant 144 : index
      %get3A_480 = tpu.vector_load %arg7[%get3A_478, %get3A_479] {strides = array<i32>} : memref<144x256xf32, #tpu.memory_space<vmem>>, vector<1x16xf32>,
      %get3A_481 = vector.shape_cast %get3A_480 : vector<1x16xf32> to vector<16xf32>
      %add3A_482 = arith.addf %add3A_475, %get3A_481 : vector<16xf32>
      %get3A_483 = arith.index_cast %add3A_362 : i32 to index
      %get3A_484 = arith.constant 160 : index
      %get3A_485 = tpu.vector_load %arg7[%get3A_483, %get3A_484] {strides = array<i32>} : memref<144x256xf32, #tpu.memory_space<vmem>>, vector<1x16xf32>,
      %get3A_486 = vector.shape_cast %get3A_485 : vector<1x16xf32> to vector<16xf32>
      %add3A_487 = arith.addf %while3A_353, %get3A_486 : vector<16xf32>
      %add3A_488 = arith.constant 1 : i32
      %add3A_489 = arith.addi %add3A_362, %add3A_488 : i32
      %get3A_490 = arith.index_cast %add3A_489 : i32 to index
      %get3A_491 = arith.constant 160 : index
      %get3A_492 = tpu.vector_load %arg7[%get3A_490, %get3A_491] {strides = array<i32>} : memref<144x256xf32, #tpu.memory_space<vmem>>, vector<1x16xf32>,
      %get3A_493 = vector.shape_cast %get3A_492 : vector<1x16xf32> to vector<16xf32>
      %add3A_494 = arith.addf %add3A_487, %get3A_493 : vector<16xf32>
      %get3A_495 = arith.index_cast %add3A_362 : i32 to index
      %get3A_496 = arith.constant 176 : index
      %get3A_497 = tpu.vector_load %arg7[%get3A_495, %get3A_496] {strides = array<i32>} : memref<144x256xf32, #tpu.memory_space<vmem>>, vector<1x16xf32>,
      %get3A_498 = vector.shape_cast %get3A_497 : vector<1x16xf32> to vector<16xf32>
      %add3A_499 = arith.addf %while3A_354, %get3A_498 : vector<16xf32>
      %add3A_500 = arith.constant 1 : i32
      %add3A_501 = arith.addi %add3A_362, %add3A_500 : i32
      %get3A_502 = arith.index_cast %add3A_501 : i32 to index
      %get3A_503 = arith.constant 176 : index
      %get3A_504 = tpu.vector_load %arg7[%get3A_502, %get3A_503] {strides = array<i32>} : memref<144x256xf32, #tpu.memory_space<vmem>>, vector<1x16xf32>,
      %get3A_505 = vector.shape_cast %get3A_504 : vector<1x16xf32> to vector<16xf32>
      %add3A_506 = arith.addf %add3A_499, %get3A_505 : vector<16xf32>
      %get3A_507 = arith.index_cast %add3A_362 : i32 to index
      %get3A_508 = arith.constant 192 : index
      %get3A_509 = tpu.vector_load %arg7[%get3A_507, %get3A_508] {strides = array<i32>} : memref<144x256xf32, #tpu.memory_space<vmem>>, vector<1x16xf32>,
      %get3A_510 = vector.shape_cast %get3A_509 : vector<1x16xf32> to vector<16xf32>
      %add3A_511 = arith.addf %while3A_355, %get3A_510 : vector<16xf32>
      %add3A_512 = arith.constant 1 : i32
      %add3A_513 = arith.addi %add3A_362, %add3A_512 : i32
      %get3A_514 = arith.index_cast %add3A_513 : i32 to index
      %get3A_515 = arith.constant 192 : index
      %get3A_516 = tpu.vector_load %arg7[%get3A_514, %get3A_515] {strides = array<i32>} : memref<144x256xf32, #tpu.memory_space<vmem>>, vector<1x16xf32>,
      %get3A_517 = vector.shape_cast %get3A_516 : vector<1x16xf32> to vector<16xf32>
      %add3A_518 = arith.addf %add3A_511, %get3A_517 : vector<16xf32>
      %get3A_519 = arith.index_cast %add3A_362 : i32 to index
      %get3A_520 = arith.constant 208 : index
      %get3A_521 = tpu.vector_load %arg7[%get3A_519, %get3A_520] {strides = array<i32>} : memref<144x256xf32, #tpu.memory_space<vmem>>, vector<1x16xf32>,
      %get3A_522 = vector.shape_cast %get3A_521 : vector<1x16xf32> to vector<16xf32>
      %add3A_523 = arith.addf %while3A_356, %get3A_522 : vector<16xf32>
      %add3A_524 = arith.constant 1 : i32
      %add3A_525 = arith.addi %add3A_362, %add3A_524 : i32
      %get3A_526 = arith.index_cast %add3A_525 : i32 to index
      %get3A_527 = arith.constant 208 : index
      %get3A_528 = tpu.vector_load %arg7[%get3A_526, %get3A_527] {strides = array<i32>} : memref<144x256xf32, #tpu.memory_space<vmem>>, vector<1x16xf32>,
      %get3A_529 = vector.shape_cast %get3A_528 : vector<1x16xf32> to vector<16xf32>
      %add3A_530 = arith.addf %add3A_523, %get3A_529 : vector<16xf32>
      %get3A_531 = arith.index_cast %add3A_362 : i32 to index
      %get3A_532 = arith.constant 224 : index
      %get3A_533 = tpu.vector_load %arg7[%get3A_531, %get3A_532] {strides = array<i32>} : memref<144x256xf32, #tpu.memory_space<vmem>>, vector<1x16xf32>,
      %get3A_534 = vector.shape_cast %get3A_533 : vector<1x16xf32> to vector<16xf32>
      %add3A_535 = arith.addf %while3A_357, %get3A_534 : vector<16xf32>
      %add3A_536 = arith.constant 1 : i32
      %add3A_537 = arith.addi %add3A_362, %add3A_536 : i32
      %get3A_538 = arith.index_cast %add3A_537 : i32 to index
      %get3A_539 = arith.constant 224 : index
      %get3A_540 = tpu.vector_load %arg7[%get3A_538, %get3A_539] {strides = array<i32>} : memref<144x256xf32, #tpu.memory_space<vmem>>, vector<1x16xf32>,
      %get3A_541 = vector.shape_cast %get3A_540 : vector<1x16xf32> to vector<16xf32>
      %add3A_542 = arith.addf %add3A_535, %get3A_541 : vector<16xf32>
      %get3A_543 = arith.index_cast %add3A_362 : i32 to index
      %get3A_544 = arith.constant 240 : index
      %get3A_545 = tpu.vector_load %arg7[%get3A_543, %get3A_544] {strides = array<i32>} : memref<144x256xf32, #tpu.memory_space<vmem>>, vector<1x16xf32>,
      %get3A_546 = vector.shape_cast %get3A_545 : vector<1x16xf32> to vector<16xf32>
      %add3A_547 = arith.addf %while3A_358, %get3A_546 : vector<16xf32>
      %add3A_548 = arith.constant 1 : i32
      %add3A_549 = arith.addi %add3A_362, %add3A_548 : i32
      %get3A_550 = arith.index_cast %add3A_549 : i32 to index
      %get3A_551 = arith.constant 240 : index
      %get3A_552 = tpu.vector_load %arg7[%get3A_550, %get3A_551] {strides = array<i32>} : memref<144x256xf32, #tpu.memory_space<vmem>>, vector<1x16xf32>,
      %get3A_553 = vector.shape_cast %get3A_552 : vector<1x16xf32> to vector<16xf32>
      %add3A_554 = arith.addf %add3A_547, %get3A_553 : vector<16xf32>
      scf.yield %add3A_374, %add3A_386, %add3A_398, %add3A_410, %add3A_422, %add3A_434, %add3A_446, %add3A_458, %add3A_470, %add3A_482, %add3A_494, %add3A_506, %add3A_518, %add3A_530, %add3A_542, %add3A_554 : vector<16xf32>, vector<16xf32>, vector<16xf32>, vector<16xf32>, vector<16xf32>, vector<16xf32>, vector<16xf32>, vector<16xf32>, vector<16xf32>, vector<16xf32>, vector<16xf32>, vector<16xf32>, vector<16xf32>, vector<16xf32>, vector<16xf32>, vector<16xf32>
    }
    %mul3A_218 = arith.constant 2 : i32
    %mul3A_219 = arith.muli %mul3A_218, %select_n3A_206 : i32
    %add3A_220 = arith.constant 72 : i32
    %add3A_221 = arith.addi %add3A_220, %mul3A_219 : i32
    %while3A_222 = arith.subi %max3A_178, %add3A_221 : i32
    %while3A_223 = arith.addi %add3A_221, %while3A_222 : i32
    %while3A_224 = arith.constant 1 : i32
    %while3A_225 = arith.divsi %while3A_222, %while3A_224 : i32
    %while3A_226 = arith.muli %while3A_225, %while3A_224 : i32
    %while3A_227 = arith.addi %add3A_221, %while3A_226 : i32
    %while3A_228 = arith.constant 1 : i32
    %while3A_229:16 = scf.for %while3A_342 = %add3A_221 to %while3A_227 step %while3A_228 iter_args(%while3A_343 = %while3A_217#0, %while3A_344 = %while3A_217#1, %while3A_345 = %while3A_217#2, %while3A_346 = %while3A_217#3, %while3A_347 = %while3A_217#4, %while3A_348 = %while3A_217#5, %while3A_349 = %while3A_217#6, %while3A_350 = %while3A_217#7, %while3A_351 = %while3A_217#8, %while3A_352 = %while3A_217#9, %while3A_353 = %while3A_217#10, %while3A_354 = %while3A_217#11, %while3A_355 = %while3A_217#12, %while3A_356 = %while3A_217#13, %while3A_357 = %while3A_217#14, %while3A_358 = %while3A_217#15) -> (vector<16xf32>, vector<16xf32>, vector<16xf32>, vector<16xf32>, vector<16xf32>, vector<16xf32>, vector<16xf32>, vector<16xf32>, vector<16xf32>, vector<16xf32>, vector<16xf32>, vector<16xf32>, vector<16xf32>, vector<16xf32>, vector<16xf32>, vector<16xf32>)  : i32 {
      %get3A_359 = arith.index_cast %while3A_342 : i32 to index
      %get3A_360 = arith.constant 0 : index
      %get3A_361 = tpu.vector_load %arg7[%get3A_359, %get3A_360] {strides = array<i32>} : memref<144x256xf32, #tpu.memory_space<vmem>>, vector<1x16xf32>,
      %get3A_362 = vector.shape_cast %get3A_361 : vector<1x16xf32> to vector<16xf32>
      %add3A_363 = arith.addf %while3A_343, %get3A_362 : vector<16xf32>
      %get3A_364 = arith.index_cast %while3A_342 : i32 to index
      %get3A_365 = arith.constant 16 : index
      %get3A_366 = tpu.vector_load %arg7[%get3A_364, %get3A_365] {strides = array<i32>} : memref<144x256xf32, #tpu.memory_space<vmem>>, vector<1x16xf32>,
      %get3A_367 = vector.shape_cast %get3A_366 : vector<1x16xf32> to vector<16xf32>
      %add3A_368 = arith.addf %while3A_344, %get3A_367 : vector<16xf32>
      %get3A_369 = arith.index_cast %while3A_342 : i32 to index
      %get3A_370 = arith.constant 32 : index
      %get3A_371 = tpu.vector_load %arg7[%get3A_369, %get3A_370] {strides = array<i32>} : memref<144x256xf32, #tpu.memory_space<vmem>>, vector<1x16xf32>,
      %get3A_372 = vector.shape_cast %get3A_371 : vector<1x16xf32> to vector<16xf32>
      %add3A_373 = arith.addf %while3A_345, %get3A_372 : vector<16xf32>
      %get3A_374 = arith.index_cast %while3A_342 : i32 to index
      %get3A_375 = arith.constant 48 : index
      %get3A_376 = tpu.vector_load %arg7[%get3A_374, %get3A_375] {strides = array<i32>} : memref<144x256xf32, #tpu.memory_space<vmem>>, vector<1x16xf32>,
      %get3A_377 = vector.shape_cast %get3A_376 : vector<1x16xf32> to vector<16xf32>
      %add3A_378 = arith.addf %while3A_346, %get3A_377 : vector<16xf32>
      %get3A_379 = arith.index_cast %while3A_342 : i32 to index
      %get3A_380 = arith.constant 64 : index
      %get3A_381 = tpu.vector_load %arg7[%get3A_379, %get3A_380] {strides = array<i32>} : memref<144x256xf32, #tpu.memory_space<vmem>>, vector<1x16xf32>,
      %get3A_382 = vector.shape_cast %get3A_381 : vector<1x16xf32> to vector<16xf32>
      %add3A_383 = arith.addf %while3A_347, %get3A_382 : vector<16xf32>
      %get3A_384 = arith.index_cast %while3A_342 : i32 to index
      %get3A_385 = arith.constant 80 : index
      %get3A_386 = tpu.vector_load %arg7[%get3A_384, %get3A_385] {strides = array<i32>} : memref<144x256xf32, #tpu.memory_space<vmem>>, vector<1x16xf32>,
      %get3A_387 = vector.shape_cast %get3A_386 : vector<1x16xf32> to vector<16xf32>
      %add3A_388 = arith.addf %while3A_348, %get3A_387 : vector<16xf32>
      %get3A_389 = arith.index_cast %while3A_342 : i32 to index
      %get3A_390 = arith.constant 96 : index
      %get3A_391 = tpu.vector_load %arg7[%get3A_389, %get3A_390] {strides = array<i32>} : memref<144x256xf32, #tpu.memory_space<vmem>>, vector<1x16xf32>,
      %get3A_392 = vector.shape_cast %get3A_391 : vector<1x16xf32> to vector<16xf32>
      %add3A_393 = arith.addf %while3A_349, %get3A_392 : vector<16xf32>
      %get3A_394 = arith.index_cast %while3A_342 : i32 to index
      %get3A_395 = arith.constant 112 : index
      %get3A_396 = tpu.vector_load %arg7[%get3A_394, %get3A_395] {strides = array<i32>} : memref<144x256xf32, #tpu.memory_space<vmem>>, vector<1x16xf32>,
      %get3A_397 = vector.shape_cast %get3A_396 : vector<1x16xf32> to vector<16xf32>
      %add3A_398 = arith.addf %while3A_350, %get3A_397 : vector<16xf32>
      %get3A_399 = arith.index_cast %while3A_342 : i32 to index
      %get3A_400 = arith.constant 128 : index
      %get3A_401 = tpu.vector_load %arg7[%get3A_399, %get3A_400] {strides = array<i32>} : memref<144x256xf32, #tpu.memory_space<vmem>>, vector<1x16xf32>,
      %get3A_402 = vector.shape_cast %get3A_401 : vector<1x16xf32> to vector<16xf32>
      %add3A_403 = arith.addf %while3A_351, %get3A_402 : vector<16xf32>
      %get3A_404 = arith.index_cast %while3A_342 : i32 to index
      %get3A_405 = arith.constant 144 : index
      %get3A_406 = tpu.vector_load %arg7[%get3A_404, %get3A_405] {strides = array<i32>} : memref<144x256xf32, #tpu.memory_space<vmem>>, vector<1x16xf32>,
      %get3A_407 = vector.shape_cast %get3A_406 : vector<1x16xf32> to vector<16xf32>
      %add3A_408 = arith.addf %while3A_352, %get3A_407 : vector<16xf32>
      %get3A_409 = arith.index_cast %while3A_342 : i32 to index
      %get3A_410 = arith.constant 160 : index
      %get3A_411 = tpu.vector_load %arg7[%get3A_409, %get3A_410] {strides = array<i32>} : memref<144x256xf32, #tpu.memory_space<vmem>>, vector<1x16xf32>,
      %get3A_412 = vector.shape_cast %get3A_411 : vector<1x16xf32> to vector<16xf32>
      %add3A_413 = arith.addf %while3A_353, %get3A_412 : vector<16xf32>
      %get3A_414 = arith.index_cast %while3A_342 : i32 to index
      %get3A_415 = arith.constant 176 : index
      %get3A_416 = tpu.vector_load %arg7[%get3A_414, %get3A_415] {strides = array<i32>} : memref<144x256xf32, #tpu.memory_space<vmem>>, vector<1x16xf32>,
      %get3A_417 = vector.shape_cast %get3A_416 : vector<1x16xf32> to vector<16xf32>
      %add3A_418 = arith.addf %while3A_354, %get3A_417 : vector<16xf32>
      %get3A_419 = arith.index_cast %while3A_342 : i32 to index
      %get3A_420 = arith.constant 192 : index
      %get3A_421 = tpu.vector_load %arg7[%get3A_419, %get3A_420] {strides = array<i32>} : memref<144x256xf32, #tpu.memory_space<vmem>>, vector<1x16xf32>,
      %get3A_422 = vector.shape_cast %get3A_421 : vector<1x16xf32> to vector<16xf32>
      %add3A_423 = arith.addf %while3A_355, %get3A_422 : vector<16xf32>
      %get3A_424 = arith.index_cast %while3A_342 : i32 to index
      %get3A_425 = arith.constant 208 : index
      %get3A_426 = tpu.vector_load %arg7[%get3A_424, %get3A_425] {strides = array<i32>} : memref<144x256xf32, #tpu.memory_space<vmem>>, vector<1x16xf32>,
      %get3A_427 = vector.shape_cast %get3A_426 : vector<1x16xf32> to vector<16xf32>
      %add3A_428 = arith.addf %while3A_356, %get3A_427 : vector<16xf32>
      %get3A_429 = arith.index_cast %while3A_342 : i32 to index
      %get3A_430 = arith.constant 224 : index
      %get3A_431 = tpu.vector_load %arg7[%get3A_429, %get3A_430] {strides = array<i32>} : memref<144x256xf32, #tpu.memory_space<vmem>>, vector<1x16xf32>,
      %get3A_432 = vector.shape_cast %get3A_431 : vector<1x16xf32> to vector<16xf32>
      %add3A_433 = arith.addf %while3A_357, %get3A_432 : vector<16xf32>
      %get3A_434 = arith.index_cast %while3A_342 : i32 to index
      %get3A_435 = arith.constant 240 : index
      %get3A_436 = tpu.vector_load %arg7[%get3A_434, %get3A_435] {strides = array<i32>} : memref<144x256xf32, #tpu.memory_space<vmem>>, vector<1x16xf32>,
      %get3A_437 = vector.shape_cast %get3A_436 : vector<1x16xf32> to vector<16xf32>
      %add3A_438 = arith.addf %while3A_358, %get3A_437 : vector<16xf32>
      scf.yield %add3A_363, %add3A_368, %add3A_373, %add3A_378, %add3A_383, %add3A_388, %add3A_393, %add3A_398, %add3A_403, %add3A_408, %add3A_413, %add3A_418, %add3A_423, %add3A_428, %add3A_433, %add3A_438 : vector<16xf32>, vector<16xf32>, vector<16xf32>, vector<16xf32>, vector<16xf32>, vector<16xf32>, vector<16xf32>, vector<16xf32>, vector<16xf32>, vector<16xf32>, vector<16xf32>, vector<16xf32>, vector<16xf32>, vector<16xf32>, vector<16xf32>, vector<16xf32>
    }
    %while3A_230 = arith.constant 1 : i32
    %while3A_231:16 = scf.for %while3A_342 = %while3A_227 to %while3A_223 step %while3A_230 iter_args(%while3A_343 = %while3A_229#0, %while3A_344 = %while3A_229#1, %while3A_345 = %while3A_229#2, %while3A_346 = %while3A_229#3, %while3A_347 = %while3A_229#4, %while3A_348 = %while3A_229#5, %while3A_349 = %while3A_229#6, %while3A_350 = %while3A_229#7, %while3A_351 = %while3A_229#8, %while3A_352 = %while3A_229#9, %while3A_353 = %while3A_229#10, %while3A_354 = %while3A_229#11, %while3A_355 = %while3A_229#12, %while3A_356 = %while3A_229#13, %while3A_357 = %while3A_229#14, %while3A_358 = %while3A_229#15) -> (vector<16xf32>, vector<16xf32>, vector<16xf32>, vector<16xf32>, vector<16xf32>, vector<16xf32>, vector<16xf32>, vector<16xf32>, vector<16xf32>, vector<16xf32>, vector<16xf32>, vector<16xf32>, vector<16xf32>, vector<16xf32>, vector<16xf32>, vector<16xf32>)  : i32 {
      %get3A_359 = arith.index_cast %while3A_342 : i32 to index
      %get3A_360 = arith.constant 0 : index
      %get3A_361 = tpu.vector_load %arg7[%get3A_359, %get3A_360] {strides = array<i32>} : memref<144x256xf32, #tpu.memory_space<vmem>>, vector<1x16xf32>,
      %get3A_362 = vector.shape_cast %get3A_361 : vector<1x16xf32> to vector<16xf32>
      %add3A_363 = arith.addf %while3A_343, %get3A_362 : vector<16xf32>
      %get3A_364 = arith.index_cast %while3A_342 : i32 to index
      %get3A_365 = arith.constant 16 : index
      %get3A_366 = tpu.vector_load %arg7[%get3A_364, %get3A_365] {strides = array<i32>} : memref<144x256xf32, #tpu.memory_space<vmem>>, vector<1x16xf32>,
      %get3A_367 = vector.shape_cast %get3A_366 : vector<1x16xf32> to vector<16xf32>
      %add3A_368 = arith.addf %while3A_344, %get3A_367 : vector<16xf32>
      %get3A_369 = arith.index_cast %while3A_342 : i32 to index
      %get3A_370 = arith.constant 32 : index
      %get3A_371 = tpu.vector_load %arg7[%get3A_369, %get3A_370] {strides = array<i32>} : memref<144x256xf32, #tpu.memory_space<vmem>>, vector<1x16xf32>,
      %get3A_372 = vector.shape_cast %get3A_371 : vector<1x16xf32> to vector<16xf32>
      %add3A_373 = arith.addf %while3A_345, %get3A_372 : vector<16xf32>
      %get3A_374 = arith.index_cast %while3A_342 : i32 to index
      %get3A_375 = arith.constant 48 : index
      %get3A_376 = tpu.vector_load %arg7[%get3A_374, %get3A_375] {strides = array<i32>} : memref<144x256xf32, #tpu.memory_space<vmem>>, vector<1x16xf32>,
      %get3A_377 = vector.shape_cast %get3A_376 : vector<1x16xf32> to vector<16xf32>
      %add3A_378 = arith.addf %while3A_346, %get3A_377 : vector<16xf32>
      %get3A_379 = arith.index_cast %while3A_342 : i32 to index
      %get3A_380 = arith.constant 64 : index
      %get3A_381 = tpu.vector_load %arg7[%get3A_379, %get3A_380] {strides = array<i32>} : memref<144x256xf32, #tpu.memory_space<vmem>>, vector<1x16xf32>,
      %get3A_382 = vector.shape_cast %get3A_381 : vector<1x16xf32> to vector<16xf32>
      %add3A_383 = arith.addf %while3A_347, %get3A_382 : vector<16xf32>
      %get3A_384 = arith.index_cast %while3A_342 : i32 to index
      %get3A_385 = arith.constant 80 : index
      %get3A_386 = tpu.vector_load %arg7[%get3A_384, %get3A_385] {strides = array<i32>} : memref<144x256xf32, #tpu.memory_space<vmem>>, vector<1x16xf32>,
      %get3A_387 = vector.shape_cast %get3A_386 : vector<1x16xf32> to vector<16xf32>
      %add3A_388 = arith.addf %while3A_348, %get3A_387 : vector<16xf32>
      %get3A_389 = arith.index_cast %while3A_342 : i32 to index
      %get3A_390 = arith.constant 96 : index
      %get3A_391 = tpu.vector_load %arg7[%get3A_389, %get3A_390] {strides = array<i32>} : memref<144x256xf32, #tpu.memory_space<vmem>>, vector<1x16xf32>,
      %get3A_392 = vector.shape_cast %get3A_391 : vector<1x16xf32> to vector<16xf32>
      %add3A_393 = arith.addf %while3A_349, %get3A_392 : vector<16xf32>
      %get3A_394 = arith.index_cast %while3A_342 : i32 to index
      %get3A_395 = arith.constant 112 : index
      %get3A_396 = tpu.vector_load %arg7[%get3A_394, %get3A_395] {strides = array<i32>} : memref<144x256xf32, #tpu.memory_space<vmem>>, vector<1x16xf32>,
      %get3A_397 = vector.shape_cast %get3A_396 : vector<1x16xf32> to vector<16xf32>
      %add3A_398 = arith.addf %while3A_350, %get3A_397 : vector<16xf32>
      %get3A_399 = arith.index_cast %while3A_342 : i32 to index
      %get3A_400 = arith.constant 128 : index
      %get3A_401 = tpu.vector_load %arg7[%get3A_399, %get3A_400] {strides = array<i32>} : memref<144x256xf32, #tpu.memory_space<vmem>>, vector<1x16xf32>,
      %get3A_402 = vector.shape_cast %get3A_401 : vector<1x16xf32> to vector<16xf32>
      %add3A_403 = arith.addf %while3A_351, %get3A_402 : vector<16xf32>
      %get3A_404 = arith.index_cast %while3A_342 : i32 to index
      %get3A_405 = arith.constant 144 : index
      %get3A_406 = tpu.vector_load %arg7[%get3A_404, %get3A_405] {strides = array<i32>} : memref<144x256xf32, #tpu.memory_space<vmem>>, vector<1x16xf32>,
      %get3A_407 = vector.shape_cast %get3A_406 : vector<1x16xf32> to vector<16xf32>
      %add3A_408 = arith.addf %while3A_352, %get3A_407 : vector<16xf32>
      %get3A_409 = arith.index_cast %while3A_342 : i32 to index
      %get3A_410 = arith.constant 160 : index
      %get3A_411 = tpu.vector_load %arg7[%get3A_409, %get3A_410] {strides = array<i32>} : memref<144x256xf32, #tpu.memory_space<vmem>>, vector<1x16xf32>,
      %get3A_412 = vector.shape_cast %get3A_411 : vector<1x16xf32> to vector<16xf32>
      %add3A_413 = arith.addf %while3A_353, %get3A_412 : vector<16xf32>
      %get3A_414 = arith.index_cast %while3A_342 : i32 to index
      %get3A_415 = arith.constant 176 : index
      %get3A_416 = tpu.vector_load %arg7[%get3A_414, %get3A_415] {strides = array<i32>} : memref<144x256xf32, #tpu.memory_space<vmem>>, vector<1x16xf32>,
      %get3A_417 = vector.shape_cast %get3A_416 : vector<1x16xf32> to vector<16xf32>
      %add3A_418 = arith.addf %while3A_354, %get3A_417 : vector<16xf32>
      %get3A_419 = arith.index_cast %while3A_342 : i32 to index
      %get3A_420 = arith.constant 192 : index
      %get3A_421 = tpu.vector_load %arg7[%get3A_419, %get3A_420] {strides = array<i32>} : memref<144x256xf32, #tpu.memory_space<vmem>>, vector<1x16xf32>,
      %get3A_422 = vector.shape_cast %get3A_421 : vector<1x16xf32> to vector<16xf32>
      %add3A_423 = arith.addf %while3A_355, %get3A_422 : vector<16xf32>
      %get3A_424 = arith.index_cast %while3A_342 : i32 to index
      %get3A_425 = arith.constant 208 : index
      %get3A_426 = tpu.vector_load %arg7[%get3A_424, %get3A_425] {strides = array<i32>} : memref<144x256xf32, #tpu.memory_space<vmem>>, vector<1x16xf32>,
      %get3A_427 = vector.shape_cast %get3A_426 : vector<1x16xf32> to vector<16xf32>
      %add3A_428 = arith.addf %while3A_356, %get3A_427 : vector<16xf32>
      %get3A_429 = arith.index_cast %while3A_342 : i32 to index
      %get3A_430 = arith.constant 224 : index
      %get3A_431 = tpu.vector_load %arg7[%get3A_429, %get3A_430] {strides = array<i32>} : memref<144x256xf32, #tpu.memory_space<vmem>>, vector<1x16xf32>,
      %get3A_432 = vector.shape_cast %get3A_431 : vector<1x16xf32> to vector<16xf32>
      %add3A_433 = arith.addf %while3A_357, %get3A_432 : vector<16xf32>
      %get3A_434 = arith.index_cast %while3A_342 : i32 to index
      %get3A_435 = arith.constant 240 : index
      %get3A_436 = tpu.vector_load %arg7[%get3A_434, %get3A_435] {strides = array<i32>} : memref<144x256xf32, #tpu.memory_space<vmem>>, vector<1x16xf32>,
      %get3A_437 = vector.shape_cast %get3A_436 : vector<1x16xf32> to vector<16xf32>
      %add3A_438 = arith.addf %while3A_358, %get3A_437 : vector<16xf32>
      scf.yield %add3A_363, %add3A_368, %add3A_373, %add3A_378, %add3A_383, %add3A_388, %add3A_393, %add3A_398, %add3A_403, %add3A_408, %add3A_413, %add3A_418, %add3A_423, %add3A_428, %add3A_433, %add3A_438 : vector<16xf32>, vector<16xf32>, vector<16xf32>, vector<16xf32>, vector<16xf32>, vector<16xf32>, vector<16xf32>, vector<16xf32>, vector<16xf32>, vector<16xf32>, vector<16xf32>, vector<16xf32>, vector<16xf32>, vector<16xf32>, vector<16xf32>, vector<16xf32>
    }
    %max3A_232 = arith.constant 1 : i32
    %max3A_233 = arith.maxsi %squeeze3A, %max3A_232 : i32
    %convert_element_type3A_234 = arith.sitofp %max3A_233 : i32 to f32
    %swap3A_235 = arith.constant 0 : i32
    %swap3A_236 = arith.index_cast %swap3A_235 : i32 to index
    %swap3A_237 = arith.constant 0 : index
    %swap3A_238 = tpu.vector_load %arg8[%swap3A_236, %swap3A_237] {strides = array<i32>} : memref<1x256xf32, #tpu.memory_space<vmem>>, vector<1x16xf32>,
    %swap3A_239 = vector.shape_cast %swap3A_238 : vector<1x16xf32> to vector<16xf32>
    %swap3A_240 = vector.shape_cast %while3A_231#0 : vector<16xf32> to vector<1x16xf32>
    tpu.vector_store %arg8[%swap3A_236, %swap3A_237], %swap3A_240 {strides = array<i32>} : memref<1x256xf32, #tpu.memory_space<vmem>>, vector<1x16xf32>,
    %swap3A_241 = arith.constant 0 : i32
    %swap3A_242 = arith.index_cast %swap3A_241 : i32 to index
    %swap3A_243 = arith.constant 16 : index
    %swap3A_244 = tpu.vector_load %arg8[%swap3A_242, %swap3A_243] {strides = array<i32>} : memref<1x256xf32, #tpu.memory_space<vmem>>, vector<1x16xf32>,
    %swap3A_245 = vector.shape_cast %swap3A_244 : vector<1x16xf32> to vector<16xf32>
    %swap3A_246 = vector.shape_cast %while3A_231#1 : vector<16xf32> to vector<1x16xf32>
    tpu.vector_store %arg8[%swap3A_242, %swap3A_243], %swap3A_246 {strides = array<i32>} : memref<1x256xf32, #tpu.memory_space<vmem>>, vector<1x16xf32>,
    %swap3A_247 = arith.constant 0 : i32
    %swap3A_248 = arith.index_cast %swap3A_247 : i32 to index
    %swap3A_249 = arith.constant 32 : index
    %swap3A_250 = tpu.vector_load %arg8[%swap3A_248, %swap3A_249] {strides = array<i32>} : memref<1x256xf32, #tpu.memory_space<vmem>>, vector<1x16xf32>,
    %swap3A_251 = vector.shape_cast %swap3A_250 : vector<1x16xf32> to vector<16xf32>
    %swap3A_252 = vector.shape_cast %while3A_231#2 : vector<16xf32> to vector<1x16xf32>
    tpu.vector_store %arg8[%swap3A_248, %swap3A_249], %swap3A_252 {strides = array<i32>} : memref<1x256xf32, #tpu.memory_space<vmem>>, vector<1x16xf32>,
    %swap3A_253 = arith.constant 0 : i32
    %swap3A_254 = arith.index_cast %swap3A_253 : i32 to index
    %swap3A_255 = arith.constant 48 : index
    %swap3A_256 = tpu.vector_load %arg8[%swap3A_254, %swap3A_255] {strides = array<i32>} : memref<1x256xf32, #tpu.memory_space<vmem>>, vector<1x16xf32>,
    %swap3A_257 = vector.shape_cast %swap3A_256 : vector<1x16xf32> to vector<16xf32>
    %swap3A_258 = vector.shape_cast %while3A_231#3 : vector<16xf32> to vector<1x16xf32>
    tpu.vector_store %arg8[%swap3A_254, %swap3A_255], %swap3A_258 {strides = array<i32>} : memref<1x256xf32, #tpu.memory_space<vmem>>, vector<1x16xf32>,
    %swap3A_259 = arith.constant 0 : i32
    %swap3A_260 = arith.index_cast %swap3A_259 : i32 to index
    %swap3A_261 = arith.constant 64 : index
    %swap3A_262 = tpu.vector_load %arg8[%swap3A_260, %swap3A_261] {strides = array<i32>} : memref<1x256xf32, #tpu.memory_space<vmem>>, vector<1x16xf32>,
    %swap3A_263 = vector.shape_cast %swap3A_262 : vector<1x16xf32> to vector<16xf32>
    %swap3A_264 = vector.shape_cast %while3A_231#4 : vector<16xf32> to vector<1x16xf32>
    tpu.vector_store %arg8[%swap3A_260, %swap3A_261], %swap3A_264 {strides = array<i32>} : memref<1x256xf32, #tpu.memory_space<vmem>>, vector<1x16xf32>,
    %swap3A_265 = arith.constant 0 : i32
    %swap3A_266 = arith.index_cast %swap3A_265 : i32 to index
    %swap3A_267 = arith.constant 80 : index
    %swap3A_268 = tpu.vector_load %arg8[%swap3A_266, %swap3A_267] {strides = array<i32>} : memref<1x256xf32, #tpu.memory_space<vmem>>, vector<1x16xf32>,
    %swap3A_269 = vector.shape_cast %swap3A_268 : vector<1x16xf32> to vector<16xf32>
    %swap3A_270 = vector.shape_cast %while3A_231#5 : vector<16xf32> to vector<1x16xf32>
    tpu.vector_store %arg8[%swap3A_266, %swap3A_267], %swap3A_270 {strides = array<i32>} : memref<1x256xf32, #tpu.memory_space<vmem>>, vector<1x16xf32>,
    %swap3A_271 = arith.constant 0 : i32
    %swap3A_272 = arith.index_cast %swap3A_271 : i32 to index
    %swap3A_273 = arith.constant 96 : index
    %swap3A_274 = tpu.vector_load %arg8[%swap3A_272, %swap3A_273] {strides = array<i32>} : memref<1x256xf32, #tpu.memory_space<vmem>>, vector<1x16xf32>,
    %swap3A_275 = vector.shape_cast %swap3A_274 : vector<1x16xf32> to vector<16xf32>
    %swap3A_276 = vector.shape_cast %while3A_231#6 : vector<16xf32> to vector<1x16xf32>
    tpu.vector_store %arg8[%swap3A_272, %swap3A_273], %swap3A_276 {strides = array<i32>} : memref<1x256xf32, #tpu.memory_space<vmem>>, vector<1x16xf32>,
    %swap3A_277 = arith.constant 0 : i32
    %swap3A_278 = arith.index_cast %swap3A_277 : i32 to index
    %swap3A_279 = arith.constant 112 : index
    %swap3A_280 = tpu.vector_load %arg8[%swap3A_278, %swap3A_279] {strides = array<i32>} : memref<1x256xf32, #tpu.memory_space<vmem>>, vector<1x16xf32>,
    %swap3A_281 = vector.shape_cast %swap3A_280 : vector<1x16xf32> to vector<16xf32>
    %swap3A_282 = vector.shape_cast %while3A_231#7 : vector<16xf32> to vector<1x16xf32>
    tpu.vector_store %arg8[%swap3A_278, %swap3A_279], %swap3A_282 {strides = array<i32>} : memref<1x256xf32, #tpu.memory_space<vmem>>, vector<1x16xf32>,
    %swap3A_283 = arith.constant 0 : i32
    %swap3A_284 = arith.index_cast %swap3A_283 : i32 to index
    %swap3A_285 = arith.constant 128 : index
    %swap3A_286 = tpu.vector_load %arg8[%swap3A_284, %swap3A_285] {strides = array<i32>} : memref<1x256xf32, #tpu.memory_space<vmem>>, vector<1x16xf32>,
    %swap3A_287 = vector.shape_cast %swap3A_286 : vector<1x16xf32> to vector<16xf32>
    %swap3A_288 = vector.shape_cast %while3A_231#8 : vector<16xf32> to vector<1x16xf32>
    tpu.vector_store %arg8[%swap3A_284, %swap3A_285], %swap3A_288 {strides = array<i32>} : memref<1x256xf32, #tpu.memory_space<vmem>>, vector<1x16xf32>,
    %swap3A_289 = arith.constant 0 : i32
    %swap3A_290 = arith.index_cast %swap3A_289 : i32 to index
    %swap3A_291 = arith.constant 144 : index
    %swap3A_292 = tpu.vector_load %arg8[%swap3A_290, %swap3A_291] {strides = array<i32>} : memref<1x256xf32, #tpu.memory_space<vmem>>, vector<1x16xf32>,
    %swap3A_293 = vector.shape_cast %swap3A_292 : vector<1x16xf32> to vector<16xf32>
    %swap3A_294 = vector.shape_cast %while3A_231#9 : vector<16xf32> to vector<1x16xf32>
    tpu.vector_store %arg8[%swap3A_290, %swap3A_291], %swap3A_294 {strides = array<i32>} : memref<1x256xf32, #tpu.memory_space<vmem>>, vector<1x16xf32>,
    %swap3A_295 = arith.constant 0 : i32
    %swap3A_296 = arith.index_cast %swap3A_295 : i32 to index
    %swap3A_297 = arith.constant 160 : index
    %swap3A_298 = tpu.vector_load %arg8[%swap3A_296, %swap3A_297] {strides = array<i32>} : memref<1x256xf32, #tpu.memory_space<vmem>>, vector<1x16xf32>,
    %swap3A_299 = vector.shape_cast %swap3A_298 : vector<1x16xf32> to vector<16xf32>
    %swap3A_300 = vector.shape_cast %while3A_231#10 : vector<16xf32> to vector<1x16xf32>
    tpu.vector_store %arg8[%swap3A_296, %swap3A_297], %swap3A_300 {strides = array<i32>} : memref<1x256xf32, #tpu.memory_space<vmem>>, vector<1x16xf32>,
    %swap3A_301 = arith.constant 0 : i32
    %swap3A_302 = arith.index_cast %swap3A_301 : i32 to index
    %swap3A_303 = arith.constant 176 : index
    %swap3A_304 = tpu.vector_load %arg8[%swap3A_302, %swap3A_303] {strides = array<i32>} : memref<1x256xf32, #tpu.memory_space<vmem>>, vector<1x16xf32>,
    %swap3A_305 = vector.shape_cast %swap3A_304 : vector<1x16xf32> to vector<16xf32>
    %swap3A_306 = vector.shape_cast %while3A_231#11 : vector<16xf32> to vector<1x16xf32>
    tpu.vector_store %arg8[%swap3A_302, %swap3A_303], %swap3A_306 {strides = array<i32>} : memref<1x256xf32, #tpu.memory_space<vmem>>, vector<1x16xf32>,
    %swap3A_307 = arith.constant 0 : i32
    %swap3A_308 = arith.index_cast %swap3A_307 : i32 to index
    %swap3A_309 = arith.constant 192 : index
    %swap3A_310 = tpu.vector_load %arg8[%swap3A_308, %swap3A_309] {strides = array<i32>} : memref<1x256xf32, #tpu.memory_space<vmem>>, vector<1x16xf32>,
    %swap3A_311 = vector.shape_cast %swap3A_310 : vector<1x16xf32> to vector<16xf32>
    %swap3A_312 = vector.shape_cast %while3A_231#12 : vector<16xf32> to vector<1x16xf32>
    tpu.vector_store %arg8[%swap3A_308, %swap3A_309], %swap3A_312 {strides = array<i32>} : memref<1x256xf32, #tpu.memory_space<vmem>>, vector<1x16xf32>,
    %swap3A_313 = arith.constant 0 : i32
    %swap3A_314 = arith.index_cast %swap3A_313 : i32 to index
    %swap3A_315 = arith.constant 208 : index
    %swap3A_316 = tpu.vector_load %arg8[%swap3A_314, %swap3A_315] {strides = array<i32>} : memref<1x256xf32, #tpu.memory_space<vmem>>, vector<1x16xf32>,
    %swap3A_317 = vector.shape_cast %swap3A_316 : vector<1x16xf32> to vector<16xf32>
    %swap3A_318 = vector.shape_cast %while3A_231#13 : vector<16xf32> to vector<1x16xf32>
    tpu.vector_store %arg8[%swap3A_314, %swap3A_315], %swap3A_318 {strides = array<i32>} : memref<1x256xf32, #tpu.memory_space<vmem>>, vector<1x16xf32>,
    %swap3A_319 = arith.constant 0 : i32
    %swap3A_320 = arith.index_cast %swap3A_319 : i32 to index
    %swap3A_321 = arith.constant 224 : index
    %swap3A_322 = tpu.vector_load %arg8[%swap3A_320, %swap3A_321] {strides = array<i32>} : memref<1x256xf32, #tpu.memory_space<vmem>>, vector<1x16xf32>,
    %swap3A_323 = vector.shape_cast %swap3A_322 : vector<1x16xf32> to vector<16xf32>
    %swap3A_324 = vector.shape_cast %while3A_231#14 : vector<16xf32> to vector<1x16xf32>
    tpu.vector_store %arg8[%swap3A_320, %swap3A_321], %swap3A_324 {strides = array<i32>} : memref<1x256xf32, #tpu.memory_space<vmem>>, vector<1x16xf32>,
    %swap3A_325 = arith.constant 0 : i32
    %swap3A_326 = arith.index_cast %swap3A_325 : i32 to index
    %swap3A_327 = arith.constant 240 : index
    %swap3A_328 = tpu.vector_load %arg8[%swap3A_326, %swap3A_327] {strides = array<i32>} : memref<1x256xf32, #tpu.memory_space<vmem>>, vector<1x16xf32>,
    %swap3A_329 = vector.shape_cast %swap3A_328 : vector<1x16xf32> to vector<16xf32>
    %swap3A_330 = vector.shape_cast %while3A_231#15 : vector<16xf32> to vector<1x16xf32>
    tpu.vector_store %arg8[%swap3A_326, %swap3A_327], %swap3A_330 {strides = array<i32>} : memref<1x256xf32, #tpu.memory_space<vmem>>, vector<1x16xf32>,
    %scan3A = arith.constant 0 : i32
    %scan3A_331 = arith.constant 0 : i32
    %scan3A_332 = arith.constant 16 : i32
    %scan3A_333 = arith.addi %scan3A_331, %scan3A_332 : i32
    %scan3A_334 = arith.constant 1 : i32
    %scan3A_335 = scf.for %scan3A_342 = %scan3A_331 to %scan3A_333 step %scan3A_334 iter_args(%scan3A_343 = %scan3A) -> (i32)  : i32 {
      %mul3A_344 = arith.constant 16 : i32
      %mul3A_345 = arith.muli %scan3A_342, %mul3A_344 : i32
      %get3A_346 = arith.constant 0 : i32
      %get3A_347 = arith.index_cast %get3A_346 : i32 to index
      %get3A_348 = arith.index_cast %mul3A_345 : i32 to index
      %get3A_349 = tpu.vector_load %arg8[%get3A_347, %get3A_348] {strides = array<i32>} : memref<1x256xf32, #tpu.memory_space<vmem>>, vector<1x16xf32>,
      %get3A_350 = vector.shape_cast %get3A_349 : vector<1x16xf32> to vector<16xf32>
      %div3A_351 = vector.broadcast %convert_element_type3A_234 : f32 to vector<16xf32>
      %div3A_352 = arith.divf %get3A_350, %div3A_351 : vector<16xf32>
      %eq3A_353 = arith.constant 0.000000e+00 : f32
      %eq3A_354 = vector.broadcast %eq3A_353 : f32 to vector<16xf32>
      %eq3A_355 = arith.cmpf oeq, %div3A_352, %eq3A_354 : vector<16xf32>
      %broadcast_in_dim3A_356 = arith.constant -1.000000e+00 : f32
      %broadcast_in_dim3A_357 = vector.broadcast %broadcast_in_dim3A_356 : f32 to vector<16xf32>
      %select_n3A_358 = arith.select %eq3A_355, %broadcast_in_dim3A_357, %div3A_352 : vector<16xi1>, vector<16xf32>
      %mul3A_359 = arith.constant 16 : i32
      %mul3A_360 = arith.muli %scan3A_342, %mul3A_359 : i32
      %swap3A_361 = arith.constant 0 : i32
      %swap3A_362 = arith.index_cast %swap3A_361 : i32 to index
      %swap3A_363 = arith.index_cast %mul3A_360 : i32 to index
      %swap3A_364 = tpu.vector_load %arg8[%swap3A_362, %swap3A_363] {strides = array<i32>} : memref<1x256xf32, #tpu.memory_space<vmem>>, vector<1x16xf32>,
      %swap3A_365 = vector.shape_cast %swap3A_364 : vector<1x16xf32> to vector<16xf32>
      %swap3A_366 = vector.shape_cast %select_n3A_358 : vector<16xf32> to vector<1x16xf32>
      tpu.vector_store %arg8[%swap3A_362, %swap3A_363], %swap3A_366 {strides = array<i32>} : memref<1x256xf32, #tpu.memory_space<vmem>>, vector<1x16xf32>,
      %scan3A_367 = arith.constant 0 : i32
      scf.yield %scan3A_367 : i32
    }
    %scan3A_336 = arith.constant 16 : i32
    "tpu.region"() ({
      %run_scoped3A = tpu.sem_alloc : memref<!tpu.dma_semaphore, #tpu.memory_space<semaphore_mem>>
      %dma_start3A_342 = tpu.memref_slice %arg9[%select_n3A, %mul3A_32] : memref<8x512xf32, #tpu.memory_space<vmem_shared>> -> memref<1x256xf32, #tpu.memory_space<vmem_shared>>
      %dma_start3A_343 = tpu.memref_slice %arg9[%select_n3A, %mul3A_32] : memref<8x512xf32, #tpu.memory_space<vmem_shared>> -> memref<1x256xf32, #tpu.memory_space<vmem_shared>>
      tpu.enqueue_dma source(%arg8 : memref<1x256xf32, #tpu.memory_space<vmem>>) target(%dma_start3A_343 : memref<1x256xf32, #tpu.memory_space<vmem_shared>>) target_semaphore(%run_scoped3A : memref<!tpu.dma_semaphore, #tpu.memory_space<semaphore_mem>>)
      %dma_wait3A_344 = tpu.memref_slice %arg9[%select_n3A, %mul3A_32] : memref<8x512xf32, #tpu.memory_space<vmem_shared>> -> memref<1x256xf32, #tpu.memory_space<vmem_shared>>
      %dma_wait3A_345 = tpu.memref_slice %arg9[%select_n3A, %mul3A_32] : memref<8x512xf32, #tpu.memory_space<vmem_shared>> -> memref<1x256xf32, #tpu.memory_space<vmem_shared>>
      tpu.wait_dma2 semaphore(%run_scoped3A : memref<!tpu.dma_semaphore, #tpu.memory_space<semaphore_mem>>) src(%arg8 : memref<1x256xf32, #tpu.memory_space<vmem>>) dst(%dma_wait3A_345 : memref<1x256xf32, #tpu.memory_space<vmem_shared>>)
      tpu.yield
    }) : () -> ()
    %barrier3A = arith.constant 0 : index
    tpu.barrier barrier_id(%barrier3A)
    %eq3A_337 = arith.constant 0 : i32
    %eq3A_338 = arith.cmpi eq, %arg1, %eq3A_337 : i32
    %convert_element_type3A_339 = arith.extui %eq3A_338 : i1 to i32
    %cond3A_340 = arith.constant 0 : i32
    %cond3A_341 = arith.cmpi ne, %convert_element_type3A_339, %cond3A_340 : i32
    scf.if %cond3A_341 {
      %mul3A_342 = arith.constant 8 : i32
      %mul3A_343 = arith.muli %arg0, %mul3A_342 : i32
      %multiple_of3A_344 = tpu.assume_multiple %mul3A_343, 8 : i32
      %run_scoped3A = arith.constant 0 : i32
      "tpu.region"() ({
        %run_scoped3A_345 = tpu.sem_alloc : memref<!tpu.dma_semaphore, #tpu.memory_space<semaphore_mem>>
        %dma_start3A_346 = arith.constant 0 : i32
        %dma_start3A_347 = tpu.memref_slice %arg4[%run_scoped3A, %multiple_of3A_344, %dma_start3A_346] : memref<1x16x512xf32, #tpu.memory_space<hbm>> -> memref<1x8x512xf32, #tpu.memory_space<hbm>>
        %dma_start3A_348 = tpu.memref_squeeze %dma_start3A_347 : memref<1x8x512xf32, #tpu.memory_space<hbm>> -> memref<8x512xf32, #tpu.memory_space<hbm>>
        tpu.enqueue_dma source(%arg9 : memref<8x512xf32, #tpu.memory_space<vmem_shared>>) target(%dma_start3A_348 : memref<8x512xf32, #tpu.memory_space<hbm>>) target_semaphore(%run_scoped3A_345 : memref<!tpu.dma_semaphore, #tpu.memory_space<semaphore_mem>>)
        %dma_wait3A_349 = arith.constant 0 : i32
        %dma_wait3A_350 = tpu.memref_slice %arg4[%run_scoped3A, %multiple_of3A_344, %dma_wait3A_349] : memref<1x16x512xf32, #tpu.memory_space<hbm>> -> memref<1x8x512xf32, #tpu.memory_space<hbm>>
        %dma_wait3A_351 = tpu.memref_squeeze %dma_wait3A_350 : memref<1x8x512xf32, #tpu.memory_space<hbm>> -> memref<8x512xf32, #tpu.memory_space<hbm>>
        tpu.wait_dma2 semaphore(%run_scoped3A_345 : memref<!tpu.dma_semaphore, #tpu.memory_space<semaphore_mem>>) src(%arg9 : memref<8x512xf32, #tpu.memory_space<vmem_shared>>) dst(%dma_wait3A_351 : memref<8x512xf32, #tpu.memory_space<hbm>>)
        tpu.yield
      }) : () -> ()
    } else {
    }
    return
  }
}

module attributes {stable_mosaic.version = 14 : i64} {
  func.func @_lambda_(%arg0: i32, %arg1: memref<1x1x16xi32, #tpu.memory_space<smem>>, %arg2: memref<1x2048x512xf32, #tpu.memory_space<vmem>>, %arg3: memref<1x16x512xf32, #tpu.memory_space<vmem>>) attributes {dimension_semantics = [#tpu.dimension_semantics<arbitrary>], iteration_bounds = array<i64: 3>, scalar_prefetch = 0 : i64, scratch_operands = 0 : i64, tpu.core_type = #tpu.core_type<tc>, window_params = [{transform_indices = @transform_0, window_bounds = array<i64: 1, 1, 16>}, {transform_indices = @transform_1, window_bounds = array<i64: 1, 2048, 512>}, {transform_indices = @transform_2, window_bounds = array<i64: 1, 16, 512>}]} {
    %iota3A = tpu.iota {dimensions = array<i32: 1>} : vector<1x2048xi32>
    %broadcast_in_dim3A = arith.constant 1.000000e+00 : f32
    %broadcast_in_dim3A_0 = vector.broadcast %broadcast_in_dim3A : f32 to vector<1x1xf32>
    %get3A = arith.constant 0 : index
    %get3A_1 = arith.constant 0 : index
    %get3A_2 = arith.constant 0 : index
    %get3A_3 = memref.load %arg1[%get3A, %get3A_1, %get3A_2] : memref<1x1x16xi32, #tpu.memory_space<smem>>
    %add3A = arith.constant 0 : i32
    %add3A_4 = arith.addi %add3A, %get3A_3 : i32
    %ge3A = arith.constant 0 : i32
    %ge3A_5 = vector.broadcast %ge3A : i32 to vector<1x2048xi32>
    %ge3A_6 = arith.cmpi sge, %iota3A, %ge3A_5 : vector<1x2048xi32>
    %lt3A = vector.broadcast %add3A_4 : i32 to vector<1x2048xi32>
    %lt3A_7 = arith.cmpi slt, %iota3A, %lt3A : vector<1x2048xi32>
    %and3A = arith.andi %ge3A_6, %lt3A_7 : vector<1x2048xi1>
    %convert_element_type3A = arith.extui %and3A : vector<1x2048xi1> to vector<1x2048xi32>
    %convert_element_type3A_8 = arith.sitofp %convert_element_type3A : vector<1x2048xi32> to vector<1x2048xf32>
    %max3A = arith.constant 1 : i32
    %max3A_9 = arith.maxsi %get3A_3, %max3A : i32
    %convert_element_type3A_10 = arith.sitofp %max3A_9 : i32 to f32
    %mul3A = vector.broadcast %convert_element_type3A_10 : f32 to vector<1x1xf32>
    %mul3A_11 = arith.mulf %broadcast_in_dim3A_0, %mul3A : vector<1x1xf32>
    %get3A_12 = arith.constant 0 : index
    %get3A_13 = arith.constant 0 : index
    %get3A_14 = arith.constant 1 : index
    %get3A_15 = memref.load %arg1[%get3A_12, %get3A_13, %get3A_14] : memref<1x1x16xi32, #tpu.memory_space<smem>>
    %add3A_16 = arith.addi %add3A_4, %get3A_15 : i32
    %ge3A_17 = vector.broadcast %add3A_4 : i32 to vector<1x2048xi32>
    %ge3A_18 = arith.cmpi sge, %iota3A, %ge3A_17 : vector<1x2048xi32>
    %lt3A_19 = vector.broadcast %add3A_16 : i32 to vector<1x2048xi32>
    %lt3A_20 = arith.cmpi slt, %iota3A, %lt3A_19 : vector<1x2048xi32>
    %and3A_21 = arith.andi %ge3A_18, %lt3A_20 : vector<1x2048xi1>
    %convert_element_type3A_22 = arith.extui %and3A_21 : vector<1x2048xi1> to vector<1x2048xi32>
    %convert_element_type3A_23 = arith.sitofp %convert_element_type3A_22 : vector<1x2048xi32> to vector<1x2048xf32>
    %max3A_24 = arith.constant 1 : i32
    %max3A_25 = arith.maxsi %get3A_15, %max3A_24 : i32
    %convert_element_type3A_26 = arith.sitofp %max3A_25 : i32 to f32
    %mul3A_27 = vector.broadcast %convert_element_type3A_26 : f32 to vector<1x1xf32>
    %mul3A_28 = arith.mulf %broadcast_in_dim3A_0, %mul3A_27 : vector<1x1xf32>
    %get3A_29 = arith.constant 0 : index
    %get3A_30 = arith.constant 0 : index
    %get3A_31 = arith.constant 2 : index
    %get3A_32 = memref.load %arg1[%get3A_29, %get3A_30, %get3A_31] : memref<1x1x16xi32, #tpu.memory_space<smem>>
    %add3A_33 = arith.addi %add3A_16, %get3A_32 : i32
    %ge3A_34 = vector.broadcast %add3A_16 : i32 to vector<1x2048xi32>
    %ge3A_35 = arith.cmpi sge, %iota3A, %ge3A_34 : vector<1x2048xi32>
    %lt3A_36 = vector.broadcast %add3A_33 : i32 to vector<1x2048xi32>
    %lt3A_37 = arith.cmpi slt, %iota3A, %lt3A_36 : vector<1x2048xi32>
    %and3A_38 = arith.andi %ge3A_35, %lt3A_37 : vector<1x2048xi1>
    %convert_element_type3A_39 = arith.extui %and3A_38 : vector<1x2048xi1> to vector<1x2048xi32>
    %convert_element_type3A_40 = arith.sitofp %convert_element_type3A_39 : vector<1x2048xi32> to vector<1x2048xf32>
    %max3A_41 = arith.constant 1 : i32
    %max3A_42 = arith.maxsi %get3A_32, %max3A_41 : i32
    %convert_element_type3A_43 = arith.sitofp %max3A_42 : i32 to f32
    %mul3A_44 = vector.broadcast %convert_element_type3A_43 : f32 to vector<1x1xf32>
    %mul3A_45 = arith.mulf %broadcast_in_dim3A_0, %mul3A_44 : vector<1x1xf32>
    %get3A_46 = arith.constant 0 : index
    %get3A_47 = arith.constant 0 : index
    %get3A_48 = arith.constant 3 : index
    %get3A_49 = memref.load %arg1[%get3A_46, %get3A_47, %get3A_48] : memref<1x1x16xi32, #tpu.memory_space<smem>>
    %add3A_50 = arith.addi %add3A_33, %get3A_49 : i32
    %ge3A_51 = vector.broadcast %add3A_33 : i32 to vector<1x2048xi32>
    %ge3A_52 = arith.cmpi sge, %iota3A, %ge3A_51 : vector<1x2048xi32>
    %lt3A_53 = vector.broadcast %add3A_50 : i32 to vector<1x2048xi32>
    %lt3A_54 = arith.cmpi slt, %iota3A, %lt3A_53 : vector<1x2048xi32>
    %and3A_55 = arith.andi %ge3A_52, %lt3A_54 : vector<1x2048xi1>
    %convert_element_type3A_56 = arith.extui %and3A_55 : vector<1x2048xi1> to vector<1x2048xi32>
    %convert_element_type3A_57 = arith.sitofp %convert_element_type3A_56 : vector<1x2048xi32> to vector<1x2048xf32>
    %max3A_58 = arith.constant 1 : i32
    %max3A_59 = arith.maxsi %get3A_49, %max3A_58 : i32
    %convert_element_type3A_60 = arith.sitofp %max3A_59 : i32 to f32
    %mul3A_61 = vector.broadcast %convert_element_type3A_60 : f32 to vector<1x1xf32>
    %mul3A_62 = arith.mulf %broadcast_in_dim3A_0, %mul3A_61 : vector<1x1xf32>
    %get3A_63 = arith.constant 0 : index
    %get3A_64 = arith.constant 0 : index
    %get3A_65 = arith.constant 4 : index
    %get3A_66 = memref.load %arg1[%get3A_63, %get3A_64, %get3A_65] : memref<1x1x16xi32, #tpu.memory_space<smem>>
    %add3A_67 = arith.addi %add3A_50, %get3A_66 : i32
    %ge3A_68 = vector.broadcast %add3A_50 : i32 to vector<1x2048xi32>
    %ge3A_69 = arith.cmpi sge, %iota3A, %ge3A_68 : vector<1x2048xi32>
    %lt3A_70 = vector.broadcast %add3A_67 : i32 to vector<1x2048xi32>
    %lt3A_71 = arith.cmpi slt, %iota3A, %lt3A_70 : vector<1x2048xi32>
    %and3A_72 = arith.andi %ge3A_69, %lt3A_71 : vector<1x2048xi1>
    %convert_element_type3A_73 = arith.extui %and3A_72 : vector<1x2048xi1> to vector<1x2048xi32>
    %convert_element_type3A_74 = arith.sitofp %convert_element_type3A_73 : vector<1x2048xi32> to vector<1x2048xf32>
    %max3A_75 = arith.constant 1 : i32
    %max3A_76 = arith.maxsi %get3A_66, %max3A_75 : i32
    %convert_element_type3A_77 = arith.sitofp %max3A_76 : i32 to f32
    %mul3A_78 = vector.broadcast %convert_element_type3A_77 : f32 to vector<1x1xf32>
    %mul3A_79 = arith.mulf %broadcast_in_dim3A_0, %mul3A_78 : vector<1x1xf32>
    %get3A_80 = arith.constant 0 : index
    %get3A_81 = arith.constant 0 : index
    %get3A_82 = arith.constant 5 : index
    %get3A_83 = memref.load %arg1[%get3A_80, %get3A_81, %get3A_82] : memref<1x1x16xi32, #tpu.memory_space<smem>>
    %add3A_84 = arith.addi %add3A_67, %get3A_83 : i32
    %ge3A_85 = vector.broadcast %add3A_67 : i32 to vector<1x2048xi32>
    %ge3A_86 = arith.cmpi sge, %iota3A, %ge3A_85 : vector<1x2048xi32>
    %lt3A_87 = vector.broadcast %add3A_84 : i32 to vector<1x2048xi32>
    %lt3A_88 = arith.cmpi slt, %iota3A, %lt3A_87 : vector<1x2048xi32>
    %and3A_89 = arith.andi %ge3A_86, %lt3A_88 : vector<1x2048xi1>
    %convert_element_type3A_90 = arith.extui %and3A_89 : vector<1x2048xi1> to vector<1x2048xi32>
    %convert_element_type3A_91 = arith.sitofp %convert_element_type3A_90 : vector<1x2048xi32> to vector<1x2048xf32>
    %max3A_92 = arith.constant 1 : i32
    %max3A_93 = arith.maxsi %get3A_83, %max3A_92 : i32
    %convert_element_type3A_94 = arith.sitofp %max3A_93 : i32 to f32
    %mul3A_95 = vector.broadcast %convert_element_type3A_94 : f32 to vector<1x1xf32>
    %mul3A_96 = arith.mulf %broadcast_in_dim3A_0, %mul3A_95 : vector<1x1xf32>
    %get3A_97 = arith.constant 0 : index
    %get3A_98 = arith.constant 0 : index
    %get3A_99 = arith.constant 6 : index
    %get3A_100 = memref.load %arg1[%get3A_97, %get3A_98, %get3A_99] : memref<1x1x16xi32, #tpu.memory_space<smem>>
    %add3A_101 = arith.addi %add3A_84, %get3A_100 : i32
    %ge3A_102 = vector.broadcast %add3A_84 : i32 to vector<1x2048xi32>
    %ge3A_103 = arith.cmpi sge, %iota3A, %ge3A_102 : vector<1x2048xi32>
    %lt3A_104 = vector.broadcast %add3A_101 : i32 to vector<1x2048xi32>
    %lt3A_105 = arith.cmpi slt, %iota3A, %lt3A_104 : vector<1x2048xi32>
    %and3A_106 = arith.andi %ge3A_103, %lt3A_105 : vector<1x2048xi1>
    %convert_element_type3A_107 = arith.extui %and3A_106 : vector<1x2048xi1> to vector<1x2048xi32>
    %convert_element_type3A_108 = arith.sitofp %convert_element_type3A_107 : vector<1x2048xi32> to vector<1x2048xf32>
    %max3A_109 = arith.constant 1 : i32
    %max3A_110 = arith.maxsi %get3A_100, %max3A_109 : i32
    %convert_element_type3A_111 = arith.sitofp %max3A_110 : i32 to f32
    %mul3A_112 = vector.broadcast %convert_element_type3A_111 : f32 to vector<1x1xf32>
    %mul3A_113 = arith.mulf %broadcast_in_dim3A_0, %mul3A_112 : vector<1x1xf32>
    %get3A_114 = arith.constant 0 : index
    %get3A_115 = arith.constant 0 : index
    %get3A_116 = arith.constant 7 : index
    %get3A_117 = memref.load %arg1[%get3A_114, %get3A_115, %get3A_116] : memref<1x1x16xi32, #tpu.memory_space<smem>>
    %add3A_118 = arith.addi %add3A_101, %get3A_117 : i32
    %ge3A_119 = vector.broadcast %add3A_101 : i32 to vector<1x2048xi32>
    %ge3A_120 = arith.cmpi sge, %iota3A, %ge3A_119 : vector<1x2048xi32>
    %lt3A_121 = vector.broadcast %add3A_118 : i32 to vector<1x2048xi32>
    %lt3A_122 = arith.cmpi slt, %iota3A, %lt3A_121 : vector<1x2048xi32>
    %and3A_123 = arith.andi %ge3A_120, %lt3A_122 : vector<1x2048xi1>
    %convert_element_type3A_124 = arith.extui %and3A_123 : vector<1x2048xi1> to vector<1x2048xi32>
    %convert_element_type3A_125 = arith.sitofp %convert_element_type3A_124 : vector<1x2048xi32> to vector<1x2048xf32>
    %max3A_126 = arith.constant 1 : i32
    %max3A_127 = arith.maxsi %get3A_117, %max3A_126 : i32
    %convert_element_type3A_128 = arith.sitofp %max3A_127 : i32 to f32
    %mul3A_129 = vector.broadcast %convert_element_type3A_128 : f32 to vector<1x1xf32>
    %mul3A_130 = arith.mulf %broadcast_in_dim3A_0, %mul3A_129 : vector<1x1xf32>
    %get3A_131 = arith.constant 0 : index
    %get3A_132 = arith.constant 0 : index
    %get3A_133 = arith.constant 8 : index
    %get3A_134 = memref.load %arg1[%get3A_131, %get3A_132, %get3A_133] : memref<1x1x16xi32, #tpu.memory_space<smem>>
    %add3A_135 = arith.addi %add3A_118, %get3A_134 : i32
    %ge3A_136 = vector.broadcast %add3A_118 : i32 to vector<1x2048xi32>
    %ge3A_137 = arith.cmpi sge, %iota3A, %ge3A_136 : vector<1x2048xi32>
    %lt3A_138 = vector.broadcast %add3A_135 : i32 to vector<1x2048xi32>
    %lt3A_139 = arith.cmpi slt, %iota3A, %lt3A_138 : vector<1x2048xi32>
    %and3A_140 = arith.andi %ge3A_137, %lt3A_139 : vector<1x2048xi1>
    %convert_element_type3A_141 = arith.extui %and3A_140 : vector<1x2048xi1> to vector<1x2048xi32>
    %convert_element_type3A_142 = arith.sitofp %convert_element_type3A_141 : vector<1x2048xi32> to vector<1x2048xf32>
    %max3A_143 = arith.constant 1 : i32
    %max3A_144 = arith.maxsi %get3A_134, %max3A_143 : i32
    %convert_element_type3A_145 = arith.sitofp %max3A_144 : i32 to f32
    %mul3A_146 = vector.broadcast %convert_element_type3A_145 : f32 to vector<1x1xf32>
    %mul3A_147 = arith.mulf %broadcast_in_dim3A_0, %mul3A_146 : vector<1x1xf32>
    %get3A_148 = arith.constant 0 : index
    %get3A_149 = arith.constant 0 : index
    %get3A_150 = arith.constant 9 : index
    %get3A_151 = memref.load %arg1[%get3A_148, %get3A_149, %get3A_150] : memref<1x1x16xi32, #tpu.memory_space<smem>>
    %add3A_152 = arith.addi %add3A_135, %get3A_151 : i32
    %ge3A_153 = vector.broadcast %add3A_135 : i32 to vector<1x2048xi32>
    %ge3A_154 = arith.cmpi sge, %iota3A, %ge3A_153 : vector<1x2048xi32>
    %lt3A_155 = vector.broadcast %add3A_152 : i32 to vector<1x2048xi32>
    %lt3A_156 = arith.cmpi slt, %iota3A, %lt3A_155 : vector<1x2048xi32>
    %and3A_157 = arith.andi %ge3A_154, %lt3A_156 : vector<1x2048xi1>
    %convert_element_type3A_158 = arith.extui %and3A_157 : vector<1x2048xi1> to vector<1x2048xi32>
    %convert_element_type3A_159 = arith.sitofp %convert_element_type3A_158 : vector<1x2048xi32> to vector<1x2048xf32>
    %max3A_160 = arith.constant 1 : i32
    %max3A_161 = arith.maxsi %get3A_151, %max3A_160 : i32
    %convert_element_type3A_162 = arith.sitofp %max3A_161 : i32 to f32
    %mul3A_163 = vector.broadcast %convert_element_type3A_162 : f32 to vector<1x1xf32>
    %mul3A_164 = arith.mulf %broadcast_in_dim3A_0, %mul3A_163 : vector<1x1xf32>
    %get3A_165 = arith.constant 0 : index
    %get3A_166 = arith.constant 0 : index
    %get3A_167 = arith.constant 10 : index
    %get3A_168 = memref.load %arg1[%get3A_165, %get3A_166, %get3A_167] : memref<1x1x16xi32, #tpu.memory_space<smem>>
    %add3A_169 = arith.addi %add3A_152, %get3A_168 : i32
    %ge3A_170 = vector.broadcast %add3A_152 : i32 to vector<1x2048xi32>
    %ge3A_171 = arith.cmpi sge, %iota3A, %ge3A_170 : vector<1x2048xi32>
    %lt3A_172 = vector.broadcast %add3A_169 : i32 to vector<1x2048xi32>
    %lt3A_173 = arith.cmpi slt, %iota3A, %lt3A_172 : vector<1x2048xi32>
    %and3A_174 = arith.andi %ge3A_171, %lt3A_173 : vector<1x2048xi1>
    %convert_element_type3A_175 = arith.extui %and3A_174 : vector<1x2048xi1> to vector<1x2048xi32>
    %convert_element_type3A_176 = arith.sitofp %convert_element_type3A_175 : vector<1x2048xi32> to vector<1x2048xf32>
    %max3A_177 = arith.constant 1 : i32
    %max3A_178 = arith.maxsi %get3A_168, %max3A_177 : i32
    %convert_element_type3A_179 = arith.sitofp %max3A_178 : i32 to f32
    %mul3A_180 = vector.broadcast %convert_element_type3A_179 : f32 to vector<1x1xf32>
    %mul3A_181 = arith.mulf %broadcast_in_dim3A_0, %mul3A_180 : vector<1x1xf32>
    %get3A_182 = arith.constant 0 : index
    %get3A_183 = arith.constant 0 : index
    %get3A_184 = arith.constant 11 : index
    %get3A_185 = memref.load %arg1[%get3A_182, %get3A_183, %get3A_184] : memref<1x1x16xi32, #tpu.memory_space<smem>>
    %add3A_186 = arith.addi %add3A_169, %get3A_185 : i32
    %ge3A_187 = vector.broadcast %add3A_169 : i32 to vector<1x2048xi32>
    %ge3A_188 = arith.cmpi sge, %iota3A, %ge3A_187 : vector<1x2048xi32>
    %lt3A_189 = vector.broadcast %add3A_186 : i32 to vector<1x2048xi32>
    %lt3A_190 = arith.cmpi slt, %iota3A, %lt3A_189 : vector<1x2048xi32>
    %and3A_191 = arith.andi %ge3A_188, %lt3A_190 : vector<1x2048xi1>
    %convert_element_type3A_192 = arith.extui %and3A_191 : vector<1x2048xi1> to vector<1x2048xi32>
    %convert_element_type3A_193 = arith.sitofp %convert_element_type3A_192 : vector<1x2048xi32> to vector<1x2048xf32>
    %max3A_194 = arith.constant 1 : i32
    %max3A_195 = arith.maxsi %get3A_185, %max3A_194 : i32
    %convert_element_type3A_196 = arith.sitofp %max3A_195 : i32 to f32
    %mul3A_197 = vector.broadcast %convert_element_type3A_196 : f32 to vector<1x1xf32>
    %mul3A_198 = arith.mulf %broadcast_in_dim3A_0, %mul3A_197 : vector<1x1xf32>
    %get3A_199 = arith.constant 0 : index
    %get3A_200 = arith.constant 0 : index
    %get3A_201 = arith.constant 12 : index
    %get3A_202 = memref.load %arg1[%get3A_199, %get3A_200, %get3A_201] : memref<1x1x16xi32, #tpu.memory_space<smem>>
    %add3A_203 = arith.addi %add3A_186, %get3A_202 : i32
    %ge3A_204 = vector.broadcast %add3A_186 : i32 to vector<1x2048xi32>
    %ge3A_205 = arith.cmpi sge, %iota3A, %ge3A_204 : vector<1x2048xi32>
    %lt3A_206 = vector.broadcast %add3A_203 : i32 to vector<1x2048xi32>
    %lt3A_207 = arith.cmpi slt, %iota3A, %lt3A_206 : vector<1x2048xi32>
    %and3A_208 = arith.andi %ge3A_205, %lt3A_207 : vector<1x2048xi1>
    %convert_element_type3A_209 = arith.extui %and3A_208 : vector<1x2048xi1> to vector<1x2048xi32>
    %convert_element_type3A_210 = arith.sitofp %convert_element_type3A_209 : vector<1x2048xi32> to vector<1x2048xf32>
    %max3A_211 = arith.constant 1 : i32
    %max3A_212 = arith.maxsi %get3A_202, %max3A_211 : i32
    %convert_element_type3A_213 = arith.sitofp %max3A_212 : i32 to f32
    %mul3A_214 = vector.broadcast %convert_element_type3A_213 : f32 to vector<1x1xf32>
    %mul3A_215 = arith.mulf %broadcast_in_dim3A_0, %mul3A_214 : vector<1x1xf32>
    %get3A_216 = arith.constant 0 : index
    %get3A_217 = arith.constant 0 : index
    %get3A_218 = arith.constant 13 : index
    %get3A_219 = memref.load %arg1[%get3A_216, %get3A_217, %get3A_218] : memref<1x1x16xi32, #tpu.memory_space<smem>>
    %add3A_220 = arith.addi %add3A_203, %get3A_219 : i32
    %ge3A_221 = vector.broadcast %add3A_203 : i32 to vector<1x2048xi32>
    %ge3A_222 = arith.cmpi sge, %iota3A, %ge3A_221 : vector<1x2048xi32>
    %lt3A_223 = vector.broadcast %add3A_220 : i32 to vector<1x2048xi32>
    %lt3A_224 = arith.cmpi slt, %iota3A, %lt3A_223 : vector<1x2048xi32>
    %and3A_225 = arith.andi %ge3A_222, %lt3A_224 : vector<1x2048xi1>
    %convert_element_type3A_226 = arith.extui %and3A_225 : vector<1x2048xi1> to vector<1x2048xi32>
    %convert_element_type3A_227 = arith.sitofp %convert_element_type3A_226 : vector<1x2048xi32> to vector<1x2048xf32>
    %max3A_228 = arith.constant 1 : i32
    %max3A_229 = arith.maxsi %get3A_219, %max3A_228 : i32
    %convert_element_type3A_230 = arith.sitofp %max3A_229 : i32 to f32
    %mul3A_231 = vector.broadcast %convert_element_type3A_230 : f32 to vector<1x1xf32>
    %mul3A_232 = arith.mulf %broadcast_in_dim3A_0, %mul3A_231 : vector<1x1xf32>
    %get3A_233 = arith.constant 0 : index
    %get3A_234 = arith.constant 0 : index
    %get3A_235 = arith.constant 14 : index
    %get3A_236 = memref.load %arg1[%get3A_233, %get3A_234, %get3A_235] : memref<1x1x16xi32, #tpu.memory_space<smem>>
    %add3A_237 = arith.addi %add3A_220, %get3A_236 : i32
    %ge3A_238 = vector.broadcast %add3A_220 : i32 to vector<1x2048xi32>
    %ge3A_239 = arith.cmpi sge, %iota3A, %ge3A_238 : vector<1x2048xi32>
    %lt3A_240 = vector.broadcast %add3A_237 : i32 to vector<1x2048xi32>
    %lt3A_241 = arith.cmpi slt, %iota3A, %lt3A_240 : vector<1x2048xi32>
    %and3A_242 = arith.andi %ge3A_239, %lt3A_241 : vector<1x2048xi1>
    %convert_element_type3A_243 = arith.extui %and3A_242 : vector<1x2048xi1> to vector<1x2048xi32>
    %convert_element_type3A_244 = arith.sitofp %convert_element_type3A_243 : vector<1x2048xi32> to vector<1x2048xf32>
    %max3A_245 = arith.constant 1 : i32
    %max3A_246 = arith.maxsi %get3A_236, %max3A_245 : i32
    %convert_element_type3A_247 = arith.sitofp %max3A_246 : i32 to f32
    %mul3A_248 = vector.broadcast %convert_element_type3A_247 : f32 to vector<1x1xf32>
    %mul3A_249 = arith.mulf %broadcast_in_dim3A_0, %mul3A_248 : vector<1x1xf32>
    %get3A_250 = arith.constant 0 : index
    %get3A_251 = arith.constant 0 : index
    %get3A_252 = arith.constant 15 : index
    %get3A_253 = memref.load %arg1[%get3A_250, %get3A_251, %get3A_252] : memref<1x1x16xi32, #tpu.memory_space<smem>>
    %add3A_254 = arith.addi %add3A_237, %get3A_253 : i32
    %ge3A_255 = vector.broadcast %add3A_237 : i32 to vector<1x2048xi32>
    %ge3A_256 = arith.cmpi sge, %iota3A, %ge3A_255 : vector<1x2048xi32>
    %lt3A_257 = vector.broadcast %add3A_254 : i32 to vector<1x2048xi32>
    %lt3A_258 = arith.cmpi slt, %iota3A, %lt3A_257 : vector<1x2048xi32>
    %and3A_259 = arith.andi %ge3A_256, %lt3A_258 : vector<1x2048xi1>
    %convert_element_type3A_260 = arith.extui %and3A_259 : vector<1x2048xi1> to vector<1x2048xi32>
    %convert_element_type3A_261 = arith.sitofp %convert_element_type3A_260 : vector<1x2048xi32> to vector<1x2048xf32>
    %max3A_262 = arith.constant 1 : i32
    %max3A_263 = arith.maxsi %get3A_253, %max3A_262 : i32
    %convert_element_type3A_264 = arith.sitofp %max3A_263 : i32 to f32
    %mul3A_265 = vector.broadcast %convert_element_type3A_264 : f32 to vector<1x1xf32>
    %mul3A_266 = arith.mulf %broadcast_in_dim3A_0, %mul3A_265 : vector<1x1xf32>
    %concatenate3A = tpu.concatenate %convert_element_type3A_8, %convert_element_type3A_23, %convert_element_type3A_40, %convert_element_type3A_57, %convert_element_type3A_74, %convert_element_type3A_91, %convert_element_type3A_108, %convert_element_type3A_125, %convert_element_type3A_142, %convert_element_type3A_159, %convert_element_type3A_176, %convert_element_type3A_193, %convert_element_type3A_210, %convert_element_type3A_227, %convert_element_type3A_244, %convert_element_type3A_261 in 0 : vector<1x2048xf32>, vector<1x2048xf32>, vector<1x2048xf32>, vector<1x2048xf32>, vector<1x2048xf32>, vector<1x2048xf32>, vector<1x2048xf32>, vector<1x2048xf32>, vector<1x2048xf32>, vector<1x2048xf32>, vector<1x2048xf32>, vector<1x2048xf32>, vector<1x2048xf32>, vector<1x2048xf32>, vector<1x2048xf32>, vector<1x2048xf32> -> vector<16x2048xf32>
    %concatenate3A_267 = tpu.concatenate %mul3A_11, %mul3A_28, %mul3A_45, %mul3A_62, %mul3A_79, %mul3A_96, %mul3A_113, %mul3A_130, %mul3A_147, %mul3A_164, %mul3A_181, %mul3A_198, %mul3A_215, %mul3A_232, %mul3A_249, %mul3A_266 in 0 : vector<1x1xf32>, vector<1x1xf32>, vector<1x1xf32>, vector<1x1xf32>, vector<1x1xf32>, vector<1x1xf32>, vector<1x1xf32>, vector<1x1xf32>, vector<1x1xf32>, vector<1x1xf32>, vector<1x1xf32>, vector<1x1xf32>, vector<1x1xf32>, vector<1x1xf32>, vector<1x1xf32>, vector<1x1xf32> -> vector<16x1xf32>
    %convert_element_type3A_268 = arith.truncf %concatenate3A : vector<16x2048xf32> to vector<16x2048xbf16>
    %get3A_269 = arith.constant 0 : index
    %get3A_270 = arith.constant 0 : index
    %get3A_271 = arith.constant 0 : index
    %get3A_272 = vector.load %arg2[%get3A_269, %get3A_270, %get3A_271] : memref<1x2048x512xf32, #tpu.memory_space<vmem>>, vector<1x2048x512xf32>
    %get3A_273 = vector.shape_cast %get3A_272 : vector<1x2048x512xf32> to vector<2048x512xf32>
    %convert_element_type3A_274 = arith.truncf %get3A_273 : vector<2048x512xf32> to vector<2048x512xbf16>
    %convert_element_type3A_275 = arith.extf %convert_element_type3A_274 : vector<2048x512xbf16> to vector<2048x512xf32>
    %sub3A = arith.subf %get3A_273, %convert_element_type3A_275 : vector<2048x512xf32>
    %convert_element_type3A_276 = arith.truncf %sub3A : vector<2048x512xf32> to vector<2048x512xbf16>
    %dot_general3A = arith.constant dense<0.000000e+00> : vector<16x512xf32>
    %dot_general3A_277 = tpu.matmul %convert_element_type3A_268, %convert_element_type3A_274, %dot_general3A {dimension_numbers = #tpu.dot_dimension_numbers<[1], [0], [0], [1], [0, 0, 1, 1], [], []>, transpose_lhs_hint = false} : vector<16x2048xbf16>, vector<2048x512xbf16>, vector<16x512xf32> -> vector<16x512xf32>
    %dot_general3A_278 = arith.constant dense<0.000000e+00> : vector<16x512xf32>
    %dot_general3A_279 = tpu.matmul %convert_element_type3A_268, %convert_element_type3A_276, %dot_general3A_278 {dimension_numbers = #tpu.dot_dimension_numbers<[1], [0], [0], [1], [0, 0, 1, 1], [], []>, transpose_lhs_hint = false} : vector<16x2048xbf16>, vector<2048x512xbf16>, vector<16x512xf32> -> vector<16x512xf32>
    %add3A_280 = arith.addf %dot_general3A_277, %dot_general3A_279 : vector<16x512xf32>
    %div3A = vector.broadcast %concatenate3A_267 : vector<16x1xf32> to vector<16x512xf32>
    %div3A_281 = arith.divf %add3A_280, %div3A : vector<16x512xf32>
    %eq3A = arith.constant 0.000000e+00 : f32
    %eq3A_282 = vector.broadcast %eq3A : f32 to vector<16x512xf32>
    %eq3A_283 = arith.cmpf oeq, %div3A_281, %eq3A_282 : vector<16x512xf32>
    %jit3A = arith.constant -1.000000e+00 : f32
    %broadcast_in_dim3A_284 = vector.broadcast %jit3A : f32 to vector<16x512xf32>
    %select_n3A = arith.select %eq3A_283, %broadcast_in_dim3A_284, %div3A_281 : vector<16x512xi1>, vector<16x512xf32>
    %swap3A = arith.constant 0 : index
    %swap3A_285 = arith.constant 0 : index
    %swap3A_286 = arith.constant 0 : index
    %swap3A_287 = vector.load %arg3[%swap3A, %swap3A_285, %swap3A_286] : memref<1x16x512xf32, #tpu.memory_space<vmem>>, vector<1x16x512xf32>
    %swap3A_288 = vector.shape_cast %swap3A_287 : vector<1x16x512xf32> to vector<16x512xf32>
    %swap3A_289 = vector.shape_cast %select_n3A : vector<16x512xf32> to vector<1x16x512xf32>
    tpu.vector_store %arg3[%swap3A, %swap3A_285, %swap3A_286], %swap3A_289 {strides = array<i32>} : memref<1x16x512xf32, #tpu.memory_space<vmem>>, vector<1x16x512xf32>,
    return
  }
  func.func @transform_0(%arg0: i32) -> (i32, i32, i32) {
    %c0_i32 = arith.constant 0 : i32
    %c0_i32_0 = arith.constant 0 : i32
    %c0_i32_1 = arith.constant 0 : i32
    return %arg0, %c0_i32, %c0_i32_0 : i32, i32, i32
  }
  func.func @transform_1(%arg0: i32) -> (i32, i32, i32) {
    %c0_i32 = arith.constant 0 : i32
    %c0_i32_0 = arith.constant 0 : i32
    %c0_i32_1 = arith.constant 0 : i32
    return %arg0, %c0_i32, %c0_i32_0 : i32, i32, i32
  }
  func.func @transform_2(%arg0: i32) -> (i32, i32, i32) {
    %c0_i32 = arith.constant 0 : i32
    %c0_i32_0 = arith.constant 0 : i32
    %c0_i32_1 = arith.constant 0 : i32
    return %arg0, %c0_i32, %c0_i32_0 : i32, i32, i32
  }
}

</mosaic_0001>

<sc_bundles>
// kernel: kernel.4.cloned.1.call-start
scs
__scs_entry_jumppad:
0x0: {  	(pc) =	sbr.rel $0x88, $3  }
0x1: {  	(tag) =	ssettag $0x0;
	lr =	simm.s32 $0x1  }
0x2: {  	[smem:$0x3F9F] =	sst lr;
	_ =	strace $0xD0000000  }
0x3: {  	_ = 	snop  }
0x4: {  	_ = 	snop  }
0x5: {  	_ = 	snop  }
0x6: {  	_ = 	snop  }
0x7: {  	_ = 	snop  }
__scs_overlays_trampoline_lowered:
0x8: {  	[smem:$0x3FAE] =	sst s0  }
0x9: {  	[smem:$0x3FAF] =	sst s1  }
0xa: {  	[smem:$0x3FB0] =	sst s2  }
0xb: {  	[smem:$0x3FB1] =	sst s3  }
0xc: {  	[smem:$0x3FB2] =	sst s4  }
0xd: {  	[smem:$0x3FB3] =	sst s5  }
0xe: {  	[smem:$0x3FB4] =	sst s6  }
0xf: {  	[smem:$0x3FB5] =	sst s7  }
0x10: {  	[smem:$0x3FB6] =	sst s8  }
0x11: {  	[smem:$0x3FB7] =	sst s9;
	s0 =	simm.s32 @!p0 $0x0  }
0x12: {  	s1 =	sld [smem:$0x3F9D];
	s0 =	simm.s32 @p0 $0x1  }
0x13: {  	[smem:$0x3FB8] =	sst s0;
	s0 =	simm.s32 @!p1 $0x0  }
0x14: {  	s2 =	sld [smem:$0x3F9C];
	s0 =	simm.s32 @p1 $0x1  }
0x15: {  	[smem:$0x3FB9] =	sst s0;
	s0 =	simm.s32 @!p2 $0x0  }
0x16: {  	s3 =	sld [smem:$0x3FDB];
	s0 =	simm.s32 @p2 $0x1  }
0x17: {  	s4 =	simm.s32 $0x1BF5;
	[smem:$0x3FBB] =	sst s0  }
0x18: {  	s0 =	sld [smem:$0x3F9E];
	_ =	swait.ge [sflag:s4], $0x0  }
0x19: {  	s7 =	sld [smem:$0x3F9F]  }
0x1a: {  	s8 =	sadd.s32 $0xFFFFE003, lr  }
0x1b: {  	s9 =	sadd.s32 $0xFFFFFEF7, lr;
	s5 =	simm.s32 $0xFFFFFFFF;
	p2 =	slt.u32 s8, $0xFFFFF086  }
0x1c: {  	p1 =	slt.u32 s9, $0xF7A;
	s5 =	simm.s32 @!p2 $0x0  }
0x1d: {  	s5 =	simm.s32 @p1 $0x1;
	p0 =	seq.s32 s7, s2  }
0x1e: {  	s7 =	smul.u32 @!p0 $0xF7A, s2;
	p2 =	seq.s32 @!p0 s5, $0x0  }
0x1f: {  	s9 =	smul.u32 $0xF7A, s1;
	s8 =	simm.s32 @!p0 $0x1BF5;
	p2 =	por !p2, p0  }
0x20: {  	[sflag:s8] =	ssyncset.s32 @!p0 $0xFFFFF086;
	s6 =	sadd.s32 @!p0 s3, s7;
	s7 =	simm.s32 @!p0 $0x108  }
0x21: {  	s3 =	sadd.s32 s3, s9;
	s6 =	sadd.s32 @!p0 $0x88, s6;
	s7 =	simm.s32 @p2 $0x1082  }
0x22: {  	[simem:s7], [sflag:s8] =	dma.local @!p0 [hbm:s6], $0xF7A  }
0x23: {  	s9 =	sor.u32 $0xD0000000, s2;
	s6 =	simm.s32 $0x108;
	_ =	swait.ge @!p0 [sflag:s8], $0x0  }
0x24: {  	s3 =	sadd.s32 $0x88, s3;
	s6 =	simm.s32 @!p1 $0x1082;
	[sflag:s4] =	ssyncset.s32 $0xFFFFF086  }
0x25: {  	[simem:s6], [sflag:s4] =	dma.local [hbm:s3], $0xF7A  }
0x26: {  	[smem:$0x3F9F] =	sst s1;
	(tag) =	ssettag s2;
	_ =	strace s9  }
0x27: {  	s1 =	sld [smem:$0x3FAF]  }
0x28: {  	s2 =	sld [smem:$0x3FB0]  }
0x29: {  	s4 =	sld [smem:$0x3FB2]  }
0x2a: {  	p0 =	seq.s32 s5, $0x0;
	s5 =	sld [smem:$0x3FB3]  }
0x2b: {  	s6 =	sld [smem:$0x3FB4]  }
0x2c: {  	s7 =	sld [smem:$0x3FB5]  }
0x2d: {  	s3 =	simm.s32 $0x108;
	s8 =	sld [smem:$0x3FB6]  }
0x2e: {  	s3 =	simm.s32 @!p0 $0x1082;
	s9 =	sld [smem:$0x3FB7]  }
0x2f: {  	lr =	sadd.s32 s0, s3;
	s0 =	sld [smem:$0x3FAE]  }
0x30: {  	s3 =	sld [smem:$0x3FB1]  }
0x31: {  	[smem:$0x3FBA] =	sst s10  }
0x32: {  	s10 =	sld [smem:$0x3FB8];
	_ =	sdelay $0x3  }
0x33: {  	p0 =	seq.s32 s10, $0x1;
	s10 =	sld [smem:$0x3FBA];
	_ =	sdelay $0x3  }
0x34: {  	[smem:$0x3FBA] =	sst s10  }
0x35: {  	s10 =	sld [smem:$0x3FB9];
	_ =	sdelay $0x3  }
0x36: {  	p1 =	seq.s32 s10, $0x1;
	s10 =	sld [smem:$0x3FBA];
	_ =	sdelay $0x3  }
0x37: {  	[smem:$0x3FBA] =	sst s10  }
0x38: {  	s10 =	sld [smem:$0x3FBB]  }
0x39: {  	_ = 	snop;
	(pc) =	sbr.ind lr, $3  }
0x3a: {  	_ = 	snop  }
0x3b: {  	_ = 	snop  }
0x3c: {  	p2 =	seq.s32 s10, $0x1;
	s10 =	sld [smem:$0x3FBA]  }
0x3d: {  	_ =	shalt  }
0x3e: {  	_ =	shalt  }
0x3f: {  	_ =	shalt  }
0x40: {  	_ =	shalt  }
0x41: {  	_ =	shalt  }
0x42: {  	_ =	shalt  }
0x43: {  	_ =	shalt  }
0x44: {  	_ =	shalt  }
0x45: {  	_ =	shalt  }
0x46: {  	_ =	shalt  }
0x47: {  	_ =	shalt  }
0x48: {  	_ =	shalt  }
0x49: {  	_ =	shalt  }
0x4a: {  	_ =	shalt  }
0x4b: {  	_ =	shalt  }
0x4c: {  	_ =	shalt  }
0x4d: {  	_ =	shalt  }
0x4e: {  	_ =	shalt  }
0x4f: {  	_ =	shalt  }
0x50: {  	_ =	shalt  }
0x51: {  	_ =	shalt  }
0x52: {  	_ =	shalt  }
0x53: {  	_ =	shalt  }
0x54: {  	_ =	shalt  }
0x55: {  	_ =	shalt  }
0x56: {  	_ =	shalt  }
0x57: {  	_ =	shalt  }
0x58: {  	_ =	shalt  }
0x59: {  	_ =	shalt  }
0x5a: {  	_ =	shalt  }
0x5b: {  	_ =	shalt  }
0x5c: {  	_ =	shalt  }
0x5d: {  	_ =	shalt  }
0x5e: {  	_ =	shalt  }
0x5f: {  	_ =	shalt  }
0x60: {  	_ =	shalt  }
0x61: {  	_ =	shalt  }
0x62: {  	_ =	shalt  }
0x63: {  	_ =	shalt  }
0x64: {  	_ =	shalt  }
0x65: {  	_ =	shalt  }
0x66: {  	_ =	shalt  }
0x67: {  	_ =	shalt  }
0x68: {  	_ =	shalt  }
0x69: {  	_ =	shalt  }
0x6a: {  	_ =	shalt  }
0x6b: {  	_ =	shalt  }
0x6c: {  	_ =	shalt  }
0x6d: {  	_ =	shalt  }
0x6e: {  	_ =	shalt  }
0x6f: {  	_ =	shalt  }
0x70: {  	_ =	shalt  }
0x71: {  	_ =	shalt  }
0x72: {  	_ =	shalt  }
0x73: {  	_ =	shalt  }
0x74: {  	_ =	shalt  }
0x75: {  	_ =	shalt  }
0x76: {  	_ =	shalt  }
0x77: {  	_ =	shalt  }
0x78: {  	_ =	shalt  }
0x79: {  	_ =	shalt  }
0x7a: {  	_ =	shalt  }
0x7b: {  	_ =	shalt  }
0x7c: {  	_ =	shalt  }
0x7d: {  	_ =	shalt  }
0x7e: {  	_ =	shalt  }
0x7f: {  	_ =	shalt  }
0x80: {  	_ =	shalt  }
0x81: {  	_ =	shalt  }
0x82: {  	_ =	shalt  }
0x83: {  	_ =	shalt  }
0x84: {  	_ =	shalt  }
0x85: {  	_ =	shalt  }
0x86: {  	_ =	shalt  }
0x87: {  	_ =	shalt  }
.Lfunc_end0:
.L_simem_size_0:
called_computation_lowered:
.L_overlay_start_0:
0x88: {  	s2 =	sld [smem:$0x3FD9]  }
0x89: {  	s3 =	sld [smem:$0x3FFE];
	_ =	sdelay $0x1  }
0x8a: {  	s1 =	srdreg.scid  }
0x8b: {  	s0 =	sand.u32 $0x1, s1  }
0x8c: {  	s17 =	sshll.u32 s0, $0xA;
	s2 =	sadd.s32 s3, s2  }
0x8d: {  	s2 =	sadd.s32 s2, s17  }
0x8e: {  	[smem:$0x3FC6] =	sst s2  }
0x8f: {  	_ = 	snop  }
0x90: {  	s2 =	sld [smem:$0x3FC9]  }
0x91: {  	s18 =	sld [smem:$0x3FC8];
	(tm) =	ssettm $0x1  }
0x92: {  	s4 =	sld [smem:$0x3FFB];
	_ =	sdelay $0x3  }
0x93: {  	_ =	strace s4  }
0x94: {  	s4 =	sld [smem:$0x3FFC];
	_ =	sdelay $0x3  }
0x95: {  	_ =	strace s4  }
0x96: {  	s4 =	sld [smem:$0x3FFD];
	_ =	sdelay $0x3  }
0x97: {  	_ =	strace s4  }
0x98: {  	_ =	strace $0x8FFFFFFF  }
0x99: {  	s19 =	sld [smem:$0x3FDB];
	_ =	sdelay $0x1  }
0x9a: {  	s5 =	simm.s32 $_scs_section_size  }
0x9b: {  	s6 =	simm.s32 $_size__tile_overlayer_lowered;
	s7 =	simm.s32 $_tile_overlayer_lowered  }
0x9c: {  	s22 =	simm.s32 $0x1BFF;
	s21 =	sshll.u32 s7, $0x1;
	s4 =	sadd.s32 s5, s19  }
0x9d: {  	s8 =	simm.s32 $0x0;
	s20 =	sshll.u32 s6, $0x1;
	s6 =	sadd.s32 s21, s4  }
0x9e: {  	[timem:s8], [sflag:s22] =	dma.local [hbm:s6], s20  }
0x9f: {  	_ =	swait.ge [sflag:s22], s20  }
0xa0: {  	s5 =	ssub.s32 $0x0, s20;
	[sflag:s22] =	ssyncset.done $0x0  }
0xa1: {  	[sflag:s22] =	ssyncadd.s32 s5;
	_ =	sdelay $0x1  }
0xa2: {  	s23 =	simm.s32 $0x1B8B  }
0xa3: {  	_ =	swait.ge [sflag:s23], $0x1  }
0xa4: {  	[sflag:s23] =	ssyncset.done $0x0  }
0xa5: {  	s25 =	simm.s32 $0x1B8E;
	s24 =	sld [smem:$0x3FFE];
	[sflag:s23] =	ssyncadd.s32 $0xFFFFFFFF  }
0xa6: {  	s26 =	simm.s32 $execute0_lowered;
	[smem:$0x3FD2] =	sst s25  }
0xa7: {  	s6 =	sshll.u32 s26, $0x1;
	_ =	strace $0x80000046;
	[dreg:$0x1] =	wrdreg $0xFFFFFFFF  }
0xa8: {  	s28 =	simm.s32 $_size_execute0_lowered;
	s4 =	sadd.s32 s4, s6;
	[dreg:$0x0] =	wrdreg $0x0  }
0xa9: {  	s6 =	sshll.u32 s28, $0x1;
	[dreg:$0x2] =	wrdreg s4  }
0xaa: {  	[dreg:$0x3] =	wrdreg s6  }
0xab: {  	[dreg:$0x4] =	wrdreg $0xC0  }
0xac: {  	_ =	task [dreg:s8], $0x5FFFF  }
0xad: {  	[dreg:$0x1] =	wrdreg $0xFFFFFFFF  }
0xae: {  	[dreg:$0x0] =	wrdreg $0x60  }
0xaf: {  	[dreg:$0x2] =	wrdreg s2  }
0xb0: {  	[dreg:$0x3] =	wrdreg s18  }
0xb1: {  	[dreg:$0x4] =	wrdreg s24  }
0xb2: {  	[dreg:$0x5] =	wrdreg $0x93800  }
0xb3: {  	[dreg:$0x6] =	wrdreg $0x9  }
0xb4: {  	_ =	task.clear_ibuf [dreg:s8], $0x7FFFF;
	_ =	strace $0x90000046  }
0xb5: {  	s29 =	simm.s32 $0x9;
	_ =	strace $0x80000048  }
0xb6: {  	_ =	swait.ge [sflag:s29], $0x1  }
0xb7: {  	[sflag:s29] =	ssyncadd.s32 $0xFFFFFFFF  }
0xb8: {  	_ =	strace $0x90000048  }
0xb9: {  	_ =	sfence  }
0xba: {  	s30 =	sld [smem:$0x0];
	_ =	sdelay $0x2  }
0xbb: {  	s31 =	sshll.u32 s1, $0xD;
	s1 =	sshrl.u32 s1, $0x2  }
0xbc: {  	s3 =	sand.u32 $0x4000, s31;
	s1 =	sadd.s32 s1, s30  }
0xbd: {  	s0 =	sor.u32 s3, s0;
	s1 =	sshll.u32 s1, $0x11  }
0xbe: {  	s0 =	sor.u32 s1, s0  }
0xbf: {  	s0 =	sadd.s32 $0x8F2B, s0  }
0xc0: {  	[sflag:s0] =	ssyncadd.remote.s32 $0x1  }
0xc1: {  	_ =	sfence.sel $0xFFFF  }
0xc2: {  	[dreg:$0x0] =	wrdreg $0xFFFFFFFF;
	(pc) =	sbr.abs _section_cstart, $3  }
0xc3: {  	[dreg:$0x1] =	wrdreg $0xFFFFFFFF  }
0xc4: {  	_ =	task.clear_ibuf [dreg:s8], $0x2FFFF;
	_ =	strace $0x9FFFFFFF  }
0xc5: {  	(tm) =	ssettm $0x7FFFFFFF  }
tec
execute0_lowered:
.L_overlay_start_1:
0x0: {  	(tag) =	ssettag $0x1  }
0x1: {  	s1 =	rddreg [dreg:$0x0]  }
0x2: {  	s5 =	rddreg [dreg:$0x2]  }
0x3: {  	s3 =	rddreg [dreg:$0x3];
	s4 =	simm.s32 $0x0;
	s6 =	srdreg.scid  }
0x4: {  	s16 =	stileid.u32;
	s12 =	simm.s32 $0x800;
	s13 =	simm.s32 $0x1000  }
0x5: {  	s14 =	simm.s32 $0x280;
	s15 =	simm.s32 $0x1;
	s17 =	simm.s32 $0x400  }
0x6: {  	s18 =	simm.s32 $0x9280;
	s19 =	simm.s32 $0x0;
	[smem:$0x7FF] =	sst s4  }
0x7: {  	s6 =	sand.u32 $0x1, s6;
	s28 =	sshrl.u32 s16, $0x1;
	s29 =	sshll.u32 s16, $0xB  }
0x8: {  	p0 =	sne.s32 s16, $0x0;
	s16 =	simm.s32 $0x80;
	_ =	strace $0x80000047  }
0x9: {  	s7 =	sshll.u32 s6, $0x9;
	s8 =	ssub.s32 $0x2, s6;
	s6 =	sshll.u32 s6, $0x3  }
.Ltmp0:
0xa: {  	s30 =	sand.u32 $0x800, s29;
	s31 =	sshll.u32 s28, $0x7;
	(pc) =	sbr.rel .LBB2_1-.Ltmp0, $4  }
0xb: {  	s9 =	sadd.s32 s7, s5;
	s26 =	sshrl.u32 s8, $0x1;
	s5 =	sor.u32 s28, s6  }
0xc: {  	s6 =	sor.u32 $0x300000, s30;
	s11 =	sadd.s32 s31, s3;
	s7 =	sor.u32 $0x309000, s30  }
0xd: {  	s10 =	ssub.s32 s8, s26;
	s8 =	sadd.s32 s30, s11;
	s9 =	sadd.s32 $0x800, s9  }
0xe: {  	v0 =	vimm.s32 $0x0;
	p1 =	seq.s32 s5, $0x0;
	s11 =	simm.s32 $0x3;
	s10 =	smax.u32 s10, $0x1  }
.LBB2_25:
0xf: {  	v17 =	vmov v16  }
0x10: {  	v18 =	vmovc v14;
	v19 =	vmovc v13;
	v20 =	vmov v12;
	v21 =	vmov v11;
	v22 =	vmov v10  }
.LBB2_29:
0x11: {  	s0 =	sor.u32 s26, s25;
	v28 =	vld @p2 [tilespmem:s21+$0x6E0]  }
0x12: {  	v29 =	vld [tilespmem:s0+$0x6F0]  }
0x13: {  	v30 =	vld [tilespmem:s0+$0x280]  }
0x14: {  	v31 =	vld [tilespmem:s0+$0x290]  }
0x15: {  	v32 =	vld [tilespmem:s0+$0x2A0]  }
0x16: {  	v33 =	vld [tilespmem:s0+$0x2B0]  }
0x17: {  	v34 =	vld [tilespmem:s0+$0x2C0]  }
0x18: {  	v35 =	vld [tilespmem:s0+$0x2D0]  }
0x19: {  	v36 =	vld [tilespmem:s0+$0x2E0]  }
0x1a: {  	v37 =	vld [tilespmem:s0+$0x2F0]  }
0x1b: {  	v57 =	vld [tilespmem:s0+$0x680]  }
0x1c: {  	v17 =	vadd.f32 @p2 v23, v17;
	v18 =	vadd.f32 @p2 v24, v18;
	v58 =	vld [tilespmem:s0+$0x690]  }
0x1d: {  	v19 =	vadd.f32 @p2 v25, v19;
	v20 =	vadd.f32 @p2 v26, v20;
	v59 =	vld [tilespmem:s0+$0x6A0]  }
0x1e: {  	v21 =	vadd.f32 @p2 v27, v21;
	v60 =	vld [tilespmem:s0+$0x6B0];
	v22 =	vadd.f32 @p2 v28, v22  }
0x1f: {  	v61 =	vld [tilespmem:s0+$0x6C0];
	v9 =	vadd.f32 v29, v9;
	v1 =	vadd.f32 v30, v1  }
0x20: {  	v62 =	vld [tilespmem:s0+$0x6D0];
	v16 =	vpsel p2, v17, v16;
	v2 =	vadd.f32 v31, v2;
	v3 =	vadd.f32 v32, v3  }
0x21: {  	v63 =	vld [tilespmem:s0+$0x6E0];
	v14 =	vpsel p2, v18, v14;
	v4 =	vadd.f32 v33, v4;
	v5 =	vadd.f32 v34, v5  }
0x22: {  	v13 =	vpsel p2, v19, v13;
	v6 =	vadd.f32 v35, v6;
	v7 =	vadd.f32 v36, v7  }
0x23: {  	v12 =	vpsel p2, v20, v12;
	v8 =	vadd.f32 v37, v8;
	v15 =	vadd.f32 v57, v15  }
0x24: {  	v11 =	vpsel p2, v21, v11;
	v16 =	vadd.f32 v58, v16;
	v14 =	vadd.f32 v59, v14  }
0x25: {  	v13 =	vadd.f32 v60, v13;
	v12 =	vadd.f32 v61, v12;
	v10 =	vpsel p2, v22, v10  }
0x26: {  	v11 =	vadd.f32 v62, v11;
	v10 =	vadd.f32 v63, v10  }
.LBB2_30:
0x27: {  	p2 =	sgt.s32 s20, $0x1  }
0x28: {  	s20 =	simm.s32 @!p2 $0x1  }
0x29: {  	s0 =	scvt.s32.f32 s20;
	_ =	sdelay $0x1  }
0x2a: {  	v17 =	vmov s0  }
0x2b: {  	(erf) = vrcp.f32 v17;
	_ =	sdelay $0x8  }
0x2c: {  	v17 =	vpop (erf)  }
0x2d: {  	v1 =	vmul.f32 v1, v17  }
0x2e: {  	v2 =	vmul.f32 v2, v17  }
0x2f: {  	v3 =	vmul.f32 v3, v17;
	vm0 =	veq.f32 v1, $0.0e+00  }
0x30: {  	v4 =	vmul.f32 v4, v17;
	vm13 =	veq.f32 v2, $0.0e+00;
	v1 =	vsel vm0, $0xBF800000, v1  }
0x31: {  	vm14 =	veq.f32 v3, $0.0e+00;
	[tilespmem:$0x9280] =	vst v1;
	v1 =	vsel vm13, $0xBF800000, v2;
	v2 =	vmul.f32 v5, v17  }
0x32: {  	vm15 =	veq.f32 v4, $0.0e+00;
	[tilespmem:$0x9290] =	vst v1;
	v1 =	vsel vm14, $0xBF800000, v3;
	v3 =	vmul.f32 v6, v17  }
0x33: {  	v60 =	vmul.f32 v7, v17;
	[tilespmem:$0x92A0] =	vst v1;
	v1 =	vsel vm15, $0xBF800000, v4;
	vm4 =	veq.f32 v2, $0.0e+00  }
0x34: {  	[tilespmem:$0x92B0] =	vst v1;
	v1 =	vsel vm4, $0xBF800000, v2;
	vm5 =	veq.f32 v3, $0.0e+00;
	v2 =	vmul.f32 v8, v17  }
0x35: {  	vm6 =	veq.f32 v60, $0.0e+00;
	[tilespmem:$0x92C0] =	vst v1;
	v1 =	vsel vm5, $0xBF800000, v3;
	v3 =	vmul.f32 v15, v17  }
0x36: {  	v61 =	vmul.f32 v16, v17;
	[tilespmem:$0x92D0] =	vst v1;
	v1 =	vsel vm6, $0xBF800000, v60;
	vm7 =	veq.f32 v2, $0.0e+00  }
0x37: {  	[tilespmem:$0x92E0] =	vst v1;
	v1 =	vsel vm7, $0xBF800000, v2;
	vm8 =	veq.f32 v3, $0.0e+00;
	v2 =	vmul.f32 v14, v17  }
0x38: {  	vm9 =	veq.f32 v61, $0.0e+00;
	[tilespmem:$0x92F0] =	vst v1;
	v1 =	vsel vm8, $0xBF800000, v3;
	v3 =	vmul.f32 v13, v17  }
0x39: {  	v62 =	vmul.f32 v12, v17;
	[tilespmem:$0x9300] =	vst v1;
	v1 =	vsel vm9, $0xBF800000, v61;
	vm10 =	veq.f32 v2, $0.0e+00  }
0x3a: {  	[tilespmem:$0x9310] =	vst v1;
	v1 =	vsel vm10, $0xBF800000, v2;
	vm11 =	veq.f32 v3, $0.0e+00;
	v2 =	vmul.f32 v11, v17  }
0x3b: {  	vm12 =	veq.f32 v62, $0.0e+00;
	[tilespmem:$0x9320] =	vst v1;
	v1 =	vsel vm11, $0xBF800000, v3;
	v3 =	vmul.f32 v10, v17  }
0x3c: {  	v63 =	vmul.f32 v9, v17;
	[tilespmem:$0x9330] =	vst v1;
	v1 =	vsel vm12, $0xBF800000, v62;
	vm13 =	veq.f32 v2, $0.0e+00  }
0x3d: {  	[tilespmem:$0x9340] =	vst v1;
	v1 =	vsel vm13, $0xBF800000, v2;
	vm14 =	veq.f32 v3, $0.0e+00  }
0x3e: {  	vm15 =	veq.f32 v63, $0.0e+00;
	[tilespmem:$0x9350] =	vst v1;
	v1 =	vsel vm14, $0xBF800000, v3  }
0x3f: {  	[tilespmem:$0x9360] =	vst v1;
	v1 =	vsel vm15, $0xBF800000, v63  }
0x40: {  	[tilespmem:$0x9370] =	vst v1  }
0x41: {  	[spmem:s8] =	stream.strided.scatter [tilespmem:s18], [sflag:$0x3], $0x100, s17, s16, $0x38;
	[tilespmem:$0x9480] =	vst v63  }
0x42: {  	_ =	swait.ge [sflag:s11], $0x100  }
0x43: {  	[sflag:s11] =	ssyncset.done $0x0  }
0x44: {  	s2 =	simm.s32 @!p0 $0x1C03;
	s19 =	sadd.s32 $0x1, s19;
	[sflag:s11] =	ssyncadd.s32 $0xFFFFFF00  }
0x45: {  	p2 =	sne.s32 s19, s10;
	s0 =	sshrl.u32 @!p0 s3, $0x3;
	[bflag:$0x0] =	sbarrier.arrive $0xFFFF  }
0x46: {  	[hbm:s9], [sflag:s2] =	dma.local @!p0 [spmem:s0], $0x200  }
.Ltmp1:
0x47: {  	_ = 	snop;
	(pc) =	sbr.rel @!p2 .LBB2_31-.Ltmp1, $4  }
0x48: {  	s0 =	simm.s32 @!p0 $0x3  }
0x49: {  	_ =	swait.ge @!p0 [sflag:s0], $0x200  }
0x4a: {  	[sflag:s0] =	ssyncset.done @!p0 $0x0  }
0x4b: {  	[sflag:s0] =	ssyncadd.s32 @!p0 $0xFFFFFE00  }
.LBB2_1:
0x4c: {  	s0 =	rddreg [dreg:$0x1]  }
0x4d: {  	[tilespmem:s4], [sflag:$0x3] =	stream.linear.gather [hbm4b:s0+s4], $0x200, $0x38;
	[tilespmem:$0x9480] =	vst v63  }
0x4e: {  	_ =	swait.ge [sflag:s11], $0x200  }
0x4f: {  	[sflag:s11] =	ssyncset.done $0x0  }
0x50: {  	[sflag:s11] =	ssyncadd.s32 $0xFFFFFE00  }
0x51: {  	v1 =	vld [tilespmem:$0x180]  }
.Ltmp2:
0x52: {  	_ = 	snop;
	(pc) =	sbr.rel @p1 .LBB2_10-.Ltmp2, $3  }
0x53: {  	_ =	sdelay $0x1  }
0x54: {  	[tilespmem:$0x210] =	vst v0  }
0x55: {  	s22 =	simm.s32 $0x200;
	s21 =	simm.s32 $0x0;
	[tilespmem:$0x200] =	vst v1  }
0x56: {  	v1 =	vld [tilespmem:s22+$0x0];
	_ =	sdelay $0x4  }
0x57: {  	(v2sf) =	vpush v1, $0x0;
	_ =	sdelay $0x6  }
0x58: {  	p4 =	sne.s32 s5, $0x1  }
.Ltmp3:
0x59: {  	_ = 	snop;
	(pc) =	sbr.rel @!p4 .LBB2_3-.Ltmp3, $3  }
0x5a: {  	_ =	sdelay $0x1  }
0x5b: {  	s20 =	sadd.s32 $0xFFFFFFFF, s5  }
0x5c: {  	s21 =	sadd.s32 $0x1, s22;
	p2 =	por $0x0, $0x0;
	p3 =	por $0x0, $0x0  }
0x5d: {  	v1 =	vld [tilespmem:s21+$0x0];
	_ =	sdelay $0x4  }
0x5e: {  	(v2sf) =	vpush v1, $0x0;
	_ =	sdelay $0x3  }
0x5f: {  	p4 =	sne.s32 s20, $0x1  }
.Ltmp4:
0x60: {  	_ = 	snop;
	(pc) =	sbr.rel @!p4 .LBB2_5-.Ltmp4, $2  }
0x61: {  	_ =	sdelay $0x2  }
0x62: {  	s20 =	sadd.s32 $0xFFFFFFFF, s20;
	s22 =	sadd.s32 $0x1, s21;
	p2 =	por $0x1, $0x1  }
0x63: {  	v1 =	vld [tilespmem:s22+$0x0];
	_ =	sdelay $0x4  }
0x64: {  	(v2sf) =	vpush v1, $0x0;
	_ =	sdelay $0x3  }
0x65: {  	p4 =	sne.s32 s20, $0x1  }
.Ltmp5:
0x66: {  	_ = 	snop;
	(pc) =	sbr.rel @!p4 .LBB2_7-.Ltmp5, $3  }
0x67: {  	_ =	sdelay $0x1  }
0x68: {  	s21 =	sadd.s32 $0xFFFFFFFF, s20  }
0x69: {  	s22 =	sadd.s32 $0x1, s22;
	p3 =	por $0x1, $0x1;
	s20 =	simm.s32 $0x0  }
.LBB2_8:
0x6a: {  	v1 =	vld [tilespmem:s22+$0x0];
	p4 =	sne.s32 s21, $0x1;
	s21 =	sadd.s32 $0xFFFFFFFF, s21  }
.Ltmp6:
0x6b: {  	(pc) =	sbr.rel @p4 .LBB2_8-.Ltmp6, $3  }
0x6c: {  	s23 =	spop (v2sf)  }
0x6d: {  	s20 =	sadd.s32 s20, s23;
	_ =	sdelay $0x1  }
0x6e: {  	s22 =	sadd.s32 $0x1, s22;
	(v2sf) =	vpush v1, $0x0  }
.LBB2_9:
0x6f: {  	_ =	sdelay $0x9  }
0x70: {  	s21 =	spop @p3 (v2sf)  }
0x71: {  	s20 =	sadd.s32 @p3 s20, s21;
	s21 =	simm.s32 $0x0  }
0x72: {  	s21 =	smov.u32 @p3 s20;
	s20 =	spop @p2 (v2sf)  }
0x73: {  	s20 =	sadd.s32 @p2 s21, s20;
	s21 =	simm.s32 $0x0  }
0x74: {  	s21 =	smov.u32 @p2 s20;
	s31 =	spop (v2sf)  }
0x75: {  	s21 =	sadd.s32 s21, s31  }
.LBB2_10:
0x76: {  	v1 =	vld [tilespmem:s5+$0x200];
	_ =	sdelay $0x4  }
0x77: {  	(v2sf) =	vpush v1, $0x0;
	_ =	sdelay $0x4  }
0x78: {  	s20 =	sshra.s32 s21, $0x1F  }
0x79: {  	s20 =	sshrl.u32 s20, $0x1D  }
0x7a: {  	s20 =	sadd.s32 s20, s21  }
0x7b: {  	s22 =	sand.u32 $0xFFFFFFF8, s20  }
0x7c: {  	s24 =	sshll.u32 s22, $0x9  }
0x7d: {  	s30 =	sand.u32 $0x7FFFF000, s24  }
0x7e: {  	s25 =	sadd.s32 s30, s6  }
0x7f: {  	s25 =	sshrl.u32 s25, $0x3  }
0x80: {  	s25 =	sadd.s32 s1, s25  }
0x81: {  	[tilespmem:s14], [sflag:$0x1] =	stream.strided.gather [hbm4b:s25+s12], $0x4800, s13, s12, $0x38;
	[tilespmem:$0x9480] =	vst v63  }
0x82: {  	s23 =	ssub.s32 s21, s22;
	s20 =	spop (v2sf)  }
0x83: {  	s21 =	sadd.s32 s23, s20  }
0x84: {  	p2 =	slt.s32 s21, $0x49  }
0x85: {  	s24 =	sand.u32 @!p2 $0xFFFFF000, s24;
	s22 =	sshll.u32 @!p2 s22, $0x7  }
0x86: {  	s22 =	sand.u32 @!p2 $0x380, s22;
	s24 =	sadd.s32 @!p2 s24, s7  }
0x87: {  	s22 =	sor.u32 @!p2 s22, s24  }
0x88: {  	s25 =	simm.s32 @!p2 $0x1000;
	s22 =	sshrl.u32 @!p2 s22, $0x3  }
0x89: {  	s26 =	simm.s32 @!p2 $0x4A80;
	s24 =	simm.s32 @!p2 $0x800;
	s22 =	sadd.s32 @!p2 s1, s22  }
0x8a: {  	[tilespmem:s26], [sflag:$0x2] =	stream.strided.gather @!p2 [hbm4b:s22+s24], $0x4800, s25, s24, $0x38;
	[tilespmem:$0x9480] =	vst v63  }
0x8b: {  	p3 =	slt.s32 s21, $0x48;
	s22 =	smov.u32 s21  }
0x8c: {  	s22 =	simm.s32 @!p3 $0x48  }
0x8d: {  	s24 =	ssub.s32 s22, s23  }
0x8e: {  	p3 =	sgt.s32 s24, $0x0  }
0x8f: {  	p4 =	slt.s32 s24, $0x1;
	s24 =	simm.s32 @!p3 $0x0  }
0x90: {  	s31 =	sand.u32 $0x1, s24  }
0x91: {  	p6 =	seq.s32 s31, $0x1  }
0x92: {  	p3 =	por !p4, !p6  }
0x93: {  	s25 =	simm.s32 $0x1;
	p3 =	por !p3, !p3  }
0x94: {  	s24 =	sshrl.u32 s24, $0x1;
	s25 =	simm.s32 @!p3 $0x0  }
0x95: {  	s24 =	ssub.s32 s24, s25  }
0x96: {  	p3 =	slt.s32 s24, $0x1  }
.Ltmp7:
0x97: {  	_ = 	snop;
	(pc) =	sbr.rel @p3 .LBB2_11-.Ltmp7, $4  }
0x98: {  	_ = 	snop  }
0x99: {  	_ =	swait.ge [sflag:s15], $0x4800  }
0x9a: {  	[sflag:s15] =	ssyncset.done $0x0  }
0x9b: {  	s26 =	sshll.u32 s23, $0x8;
	[sflag:s15] =	ssyncadd.s32 $0xFFFFB800;
	s25 =	sshll.u32 s23, $0x7  }
0x9c: {  	s28 =	sand.u32 $0xFFFFF800, s26;
	s29 =	sand.u32 $0x380, s25  }
0x9d: {  	s28 =	sor.u32 s29, s28  }
0x9e: {  	v1 =	vld [tilespmem:s28+$0x280]  }
0x9f: {  	v2 =	vld [tilespmem:s28+$0x290]  }
0xa0: {  	v3 =	vld [tilespmem:s28+$0x2A0]  }
0xa1: {  	v4 =	vld [tilespmem:s28+$0x2B0]  }
0xa2: {  	v5 =	vld [tilespmem:s28+$0x2C0]  }
0xa3: {  	v6 =	vld [tilespmem:s28+$0x2D0]  }
0xa4: {  	v7 =	vld [tilespmem:s28+$0x2E0]  }
0xa5: {  	v8 =	vld [tilespmem:s28+$0x2F0]  }
0xa6: {  	v15 =	vld [tilespmem:s28+$0x680]  }
0xa7: {  	v17 =	vld [tilespmem:s28+$0x690]  }
0xa8: {  	v13 =	vld [tilespmem:s28+$0x6A0]  }
0xa9: {  	v14 =	vld [tilespmem:s28+$0x6B0]  }
0xaa: {  	v10 =	vld [tilespmem:s28+$0x6C0]  }
0xab: {  	s30 =	sadd.s32 $0x80, s25;
	s29 =	sadd.s32 $0x100, s26;
	v11 =	vld [tilespmem:s28+$0x6D0]  }
0xac: {  	s30 =	sand.u32 $0x380, s30;
	s29 =	sand.u32 $0xFFFFF800, s29;
	v12 =	vld [tilespmem:s28+$0x6E0]  }
0xad: {  	v21 =	vld [tilespmem:s28+$0x6F0];
	s29 =	sor.u32 s30, s29  }
0xae: {  	v16 =	vld [tilespmem:s29+$0x280]  }
0xaf: {  	v18 =	vld [tilespmem:s29+$0x290]  }
0xb0: {  	v19 =	vld [tilespmem:s29+$0x2A0]  }
0xb1: {  	v9 =	vimm.f32 $0.0e+00;
	v20 =	vld [tilespmem:s29+$0x2B0]  }
0xb2: {  	v23 =	vld [tilespmem:s29+$0x2C0];
	v1 =	vadd.f32 v1, v9  }
0xb3: {  	v25 =	vld [tilespmem:s29+$0x2D0];
	v2 =	vadd.f32 v2, v9;
	v3 =	vadd.f32 v3, v9  }
0xb4: {  	s28 =	ssub.s32 $0x0, s24;
	v26 =	vld [tilespmem:s29+$0x2E0];
	v4 =	vadd.f32 v4, v9;
	v5 =	vadd.f32 v5, v9  }
0xb5: {  	s28 =	sadd.s32 $0x1, s28;
	v22 =	vld [tilespmem:s29+$0x690];
	v6 =	vadd.f32 v6, v9;
	v7 =	vadd.f32 v7, v9  }
0xb6: {  	p3 =	seq.s32 s28, $0x0;
	v8 =	vadd.f32 v8, v9;
	v2 =	vadd.f32 v18, v2;
	v18 =	vld [tilespmem:s29+$0x2F0]  }
.Ltmp8:
0xb7: {  	v24 =	vld [tilespmem:s29+$0x6A0];
	v27 =	vadd.f32 v15, v9;
	v28 =	vadd.f32 v17, v9;
	(pc) =	sbr.rel @p3 .LBB2_14-.Ltmp8, $4  }
0xb8: {  	v15 =	vimm.f32 $0.0e+00;
	v1 =	vadd.f32 v16, v1;
	v3 =	vadd.f32 v19, v3;
	v16 =	vld [tilespmem:s29+$0x680]  }
0xb9: {  	v17 =	vimm.f32 $0.0e+00;
	v4 =	vadd.f32 v20, v4;
	v6 =	vadd.f32 v25, v6;
	v25 =	vld [tilespmem:s29+$0x6B0]  }
0xba: {  	v5 =	vadd.f32 v23, v5;
	v7 =	vadd.f32 v26, v7;
	v23 =	vld [tilespmem:s29+$0x6C0];
	v19 =	vimm.f32 $0.0e+00  }
0xbb: {  	s31 =	sadd.s32 $0x200, s26;
	s30 =	sadd.s32 $0x100, s25;
	v26 =	vld [tilespmem:s29+$0x6D0];
	v20 =	vimm.f32 $0.0e+00;
	v8 =	vadd.f32 v18, v8;
	v18 =	vimm.f32 $0.0e+00  }
.LBB2_13:
0xbc: {  	s0 =	sand.u32 $0xFFFFF800, s31;
	s2 =	sand.u32 $0x380, s30;
	v9 =	vadd.f32 v13, v9;
	v13 =	vadd.f32 v14, v15;
	v14 =	vld [tilespmem:s29+$0x6E0]  }
0xbd: {  	s0 =	sor.u32 s2, s0;
	v27 =	vadd.f32 v16, v27;
	v28 =	vadd.f32 v22, v28;
	v16 =	vld [tilespmem:s29+$0x6F0]  }
0xbe: {  	v22 =	vld [tilespmem:s0+$0x280];
	v9 =	vadd.f32 v24, v9;
	v15 =	vadd.f32 v25, v13  }
0xbf: {  	v10 =	vadd.f32 v10, v17;
	v11 =	vadd.f32 v11, v18;
	v24 =	vld [tilespmem:s0+$0x290]  }
0xc0: {  	v12 =	vadd.f32 v12, v19;
	v13 =	vadd.f32 v21, v20;
	v25 =	vld [tilespmem:s0+$0x2A0]  }
0xc1: {  	v17 =	vadd.f32 v23, v10;
	v18 =	vadd.f32 v26, v11;
	v29 =	vld [tilespmem:s0+$0x2B0]  }
0xc2: {  	v19 =	vadd.f32 v14, v12;
	v23 =	vld [tilespmem:s0+$0x2C0];
	v20 =	vadd.f32 v16, v13  }
0xc3: {  	v26 =	vld [tilespmem:s0+$0x2D0]  }
0xc4: {  	v30 =	vld [tilespmem:s0+$0x2E0]  }
0xc5: {  	v31 =	vld [tilespmem:s0+$0x2F0]  }
0xc6: {  	v32 =	vld [tilespmem:s0+$0x680]  }
0xc7: {  	v33 =	vld [tilespmem:s0+$0x690]  }
0xc8: {  	v13 =	vld [tilespmem:s0+$0x6A0]  }
0xc9: {  	v14 =	vld [tilespmem:s0+$0x6B0]  }
0xca: {  	v10 =	vld [tilespmem:s0+$0x6C0]  }
0xcb: {  	s2 =	sadd.s32 $0x100, s31;
	s29 =	sadd.s32 $0x80, s30;
	v11 =	vld [tilespmem:s0+$0x6D0]  }
0xcc: {  	s2 =	sand.u32 $0xFFFFF800, s2;
	s29 =	sand.u32 $0x380, s29;
	v12 =	vld [tilespmem:s0+$0x6E0]  }
0xcd: {  	s29 =	sor.u32 s29, s2;
	v21 =	vld [tilespmem:s0+$0x6F0]  }
0xce: {  	v16 =	vld [tilespmem:s29+$0x280]  }
0xcf: {  	v34 =	vld [tilespmem:s29+$0x290]  }
0xd0: {  	v35 =	vld [tilespmem:s29+$0x2A0]  }
0xd1: {  	v36 =	vld [tilespmem:s29+$0x2B0]  }
0xd2: {  	v37 =	vld [tilespmem:s29+$0x2C0]  }
0xd3: {  	v1 =	vadd.f32 v22, v1;
	v2 =	vadd.f32 v24, v2;
	v38 =	vld [tilespmem:s29+$0x2D0]  }
0xd4: {  	v3 =	vadd.f32 v25, v3;
	v4 =	vadd.f32 v29, v4;
	v29 =	vld [tilespmem:s29+$0x2E0]  }
0xd5: {  	s28 =	sadd.s32 $0x1, s28;
	v1 =	vadd.f32 v16, v1;
	v2 =	vadd.f32 v34, v2;
	v34 =	vld [tilespmem:s29+$0x2F0]  }
0xd6: {  	p3 =	seq.s32 s28, $0x0;
	v3 =	vadd.f32 v35, v3;
	v4 =	vadd.f32 v36, v4;
	v16 =	vld [tilespmem:s29+$0x680]  }
.Ltmp9:
0xd7: {  	v5 =	vadd.f32 v23, v5;
	v6 =	vadd.f32 v26, v6;
	v22 =	vld [tilespmem:s29+$0x690];
	(pc) =	sbr.rel @!p3 .LBB2_13-.Ltmp9, $4  }
0xd8: {  	v7 =	vadd.f32 v30, v7;
	v8 =	vadd.f32 v31, v8;
	v24 =	vld [tilespmem:s29+$0x6A0]  }
0xd9: {  	v5 =	vadd.f32 v37, v5;
	v6 =	vadd.f32 v38, v6;
	v25 =	vld [tilespmem:s29+$0x6B0]  }
0xda: {  	v7 =	vadd.f32 v29, v7;
	v8 =	vadd.f32 v34, v8;
	v23 =	vld [tilespmem:s29+$0x6C0]  }
0xdb: {  	s30 =	sadd.s32 $0x100, s30;
	s31 =	sadd.s32 $0x200, s31;
	v27 =	vadd.f32 v32, v27;
	v28 =	vadd.f32 v33, v28;
	v26 =	vld [tilespmem:s29+$0x6D0]  }
.LBB2_14:
0xdc: {  	v9 =	vadd.f32 v13, v9;
	v13 =	vadd.f32 v14, v15;
	v29 =	vld [tilespmem:s29+$0x6E0]  }
0xdd: {  	v63 =	vld [tilespmem:s29+$0x6F0];
	v15 =	vadd.f32 v16, v27;
	v16 =	vadd.f32 v22, v28  }
.Ltmp10:
0xde: {  	v14 =	vadd.f32 v24, v9;
	v13 =	vadd.f32 v25, v13;
	(pc) =	sbr.rel .LBB2_15-.Ltmp10, $4  }
0xdf: {  	v9 =	vadd.f32 v10, v17;
	v10 =	vadd.f32 v11, v18  }
0xe0: {  	v17 =	vadd.f32 v12, v19;
	v18 =	vadd.f32 v21, v20  }
0xe1: {  	v12 =	vadd.f32 v23, v9;
	v11 =	vadd.f32 v26, v10  }
0xe2: {  	v10 =	vadd.f32 v29, v17;
	v9 =	vadd.f32 v63, v18  }
.LBB2_11:
0xe3: {  	v1 =	vimm.f32 $0.0e+00  }
0xe4: {  	v2 =	vimm.f32 $0.0e+00;
	v3 =	vimm.f32 $0.0e+00;
	v4 =	vimm.f32 $0.0e+00  }
0xe5: {  	v5 =	vimm.f32 $0.0e+00;
	v6 =	vimm.f32 $0.0e+00;
	v7 =	vimm.f32 $0.0e+00  }
0xe6: {  	v8 =	vimm.f32 $0.0e+00;
	v15 =	vimm.f32 $0.0e+00;
	v16 =	vimm.f32 $0.0e+00  }
0xe7: {  	v14 =	vimm.f32 $0.0e+00;
	v13 =	vimm.f32 $0.0e+00;
	v12 =	vimm.f32 $0.0e+00  }
0xe8: {  	v11 =	vimm.f32 $0.0e+00;
	v10 =	vimm.f32 $0.0e+00;
	v9 =	vimm.f32 $0.0e+00  }
.LBB2_15:
0xe9: {  	s0 =	sshll.u32 s24, $0x1  }
0xea: {  	s28 =	sadd.s32 s23, s0  }
0xeb: {  	p3 =	sge.s32 s28, s22  }
.Ltmp11:
0xec: {  	_ = 	snop;
	(pc) =	sbr.rel @p3 .LBB2_19-.Ltmp11, $1  }
0xed: {  	_ =	sdelay $0x3  }
0xee: {  	s0 =	sshll.u32 s24, $0x8;
	s2 =	sshll.u32 s24, $0x9  }
0xef: {  	s0 =	sadd.s32 s25, s0;
	s2 =	sadd.s32 s26, s2  }
0xf0: {  	s23 =	sand.u32 $0xFFFFF800, s2;
	s31 =	sand.u32 $0x380, s0  }
0xf1: {  	s23 =	sor.u32 s31, s23  }
0xf2: {  	v17 =	vld [tilespmem:s23+$0x6F0]  }
0xf3: {  	v18 =	vld [tilespmem:s23+$0x280]  }
0xf4: {  	v19 =	vld [tilespmem:s23+$0x290]  }
0xf5: {  	v20 =	vld [tilespmem:s23+$0x2A0]  }
0xf6: {  	v21 =	vld [tilespmem:s23+$0x2B0]  }
0xf7: {  	v22 =	vld [tilespmem:s23+$0x2C0]  }
0xf8: {  	v23 =	vld [tilespmem:s23+$0x2D0]  }
0xf9: {  	s24 =	sadd.s32 $0x1, s28;
	v24 =	vld [tilespmem:s23+$0x2E0]  }
0xfa: {  	p3 =	slt.s32 s24, s22;
	v25 =	vld [tilespmem:s23+$0x2F0]  }
.Ltmp12:
0xfb: {  	v9 =	vadd.f32 v17, v9;
	v17 =	vld [tilespmem:s23+$0x680];
	(pc) =	sbr.rel @!p3 .LBB2_18-.Ltmp12, $4  }
0xfc: {  	v1 =	vadd.f32 v18, v1;
	v2 =	vadd.f32 v19, v2;
	v18 =	vld [tilespmem:s23+$0x690]  }
0xfd: {  	v3 =	vadd.f32 v20, v3;
	v4 =	vadd.f32 v21, v4;
	v19 =	vld [tilespmem:s23+$0x6A0]  }
0xfe: {  	v5 =	vadd.f32 v22, v5;
	v6 =	vadd.f32 v23, v6;
	v20 =	vld [tilespmem:s23+$0x6B0]  }
0xff: {  	s25 =	sadd.s32 $0x80, s0;
	s26 =	sadd.s32 $0x100, s2;
	v7 =	vadd.f32 v24, v7;
	v8 =	vadd.f32 v25, v8;
	v21 =	vld [tilespmem:s23+$0x6C0]  }
.LBB2_17:
0x100: {  	s0 =	sand.u32 $0xFFFFF800, s26;
	s2 =	sand.u32 $0x380, s25;
	s24 =	sadd.s32 $0x1, s24;
	v15 =	vadd.f32 v17, v15;
	v17 =	vld [tilespmem:s23+$0x6D0]  }
0x101: {  	p3 =	slt.s32 s24, s22;
	v16 =	vadd.f32 v18, v16;
	v18 =	vld [tilespmem:s23+$0x6E0];
	s23 =	sor.u32 s2, s0  }
0x102: {  	v22 =	vld [tilespmem:s23+$0x6F0];
	v14 =	vadd.f32 v19, v14  }
0x103: {  	v19 =	vld [tilespmem:s23+$0x280];
	v13 =	vadd.f32 v20, v13  }
0x104: {  	v20 =	vld [tilespmem:s23+$0x290];
	v12 =	vadd.f32 v21, v12  }
0x105: {  	v21 =	vld [tilespmem:s23+$0x2A0];
	v11 =	vadd.f32 v17, v11  }
0x106: {  	v17 =	vld [tilespmem:s23+$0x2B0];
	v10 =	vadd.f32 v18, v10  }
0x107: {  	v18 =	vld [tilespmem:s23+$0x2C0];
	v9 =	vadd.f32 v22, v9  }
0x108: {  	v1 =	vadd.f32 v19, v1;
	v19 =	vld [tilespmem:s23+$0x2D0]  }
0x109: {  	v2 =	vadd.f32 v20, v2;
	v20 =	vld [tilespmem:s23+$0x2E0]  }
0x10a: {  	v3 =	vadd.f32 v21, v3;
	v21 =	vld [tilespmem:s23+$0x2F0]  }
.Ltmp13:
0x10b: {  	v4 =	vadd.f32 v17, v4;
	v17 =	vld [tilespmem:s23+$0x680];
	(pc) =	sbr.rel @p3 .LBB2_17-.Ltmp13, $4  }
0x10c: {  	v5 =	vadd.f32 v18, v5;
	v18 =	vld [tilespmem:s23+$0x690]  }
0x10d: {  	v6 =	vadd.f32 v19, v6;
	v19 =	vld [tilespmem:s23+$0x6A0]  }
0x10e: {  	v7 =	vadd.f32 v20, v7;
	v20 =	vld [tilespmem:s23+$0x6B0]  }
0x10f: {  	s25 =	sadd.s32 $0x80, s25;
	s26 =	sadd.s32 $0x100, s26;
	v8 =	vadd.f32 v21, v8;
	v21 =	vld [tilespmem:s23+$0x6C0]  }
.LBB2_18:
0x110: {  	v22 =	vld [tilespmem:s23+$0x6D0]  }
0x111: {  	v23 =	vld [tilespmem:s23+$0x6E0];
	_ =	sdelay $0x1  }
0x112: {  	v15 =	vadd.f32 v17, v15  }
0x113: {  	v16 =	vadd.f32 v18, v16;
	v14 =	vadd.f32 v19, v14  }
0x114: {  	v13 =	vadd.f32 v20, v13;
	v12 =	vadd.f32 v21, v12  }
0x115: {  	v11 =	vadd.f32 v22, v11;
	v10 =	vadd.f32 v23, v10  }
.LBB2_19:
0x116: {  	p3 =	sgt.s32 s21, $0x48  }
0x117: {  	s21 =	simm.s32 @!p3 $0x48  }
0x118: {  	s0 =	sand.u32 $0x1, s21  }
0x119: {  	p6 =	seq.s32 s0, $0x1  }
0x11a: {  	p3 =	por !p2, !p6  }
0x11b: {  	s2 =	simm.s32 $0x1;
	s31 =	sadd.s32 $0xFFFFFFB8, s21;
	p3 =	por !p3, !p3  }
0x11c: {  	s0 =	sshrl.u32 s31, $0x1;
	s2 =	simm.s32 @!p3 $0x0  }
0x11d: {  	s22 =	ssub.s32 s0, s2  }
0x11e: {  	p3 =	slt.s32 s22, $0x1  }
.Ltmp14:
0x11f: {  	_ = 	snop;
	(pc) =	sbr.rel @p3 .LBB2_23-.Ltmp14, $4  }
0x120: {  	s23 =	simm.s32 @!p2 $0x2  }
0x121: {  	_ =	swait.ge @!p2 [sflag:s23], $0x4800  }
0x122: {  	[sflag:s23] =	ssyncset.done @!p2 $0x0  }
0x123: {  	[sflag:s23] =	ssyncadd.s32 @!p2 $0xFFFFB800  }
0x124: {  	s0 =	simm.s32 $0x0  }
0x125: {  	s2 =	sand.u32 $0xFFFFF800, s0;
	s0 =	sand.u32 $0x300, s0  }
0x126: {  	s0 =	sor.u32 s0, s2  }
0x127: {  	v23 =	vld [tilespmem:s0+$0x4A80]  }
0x128: {  	v24 =	vld [tilespmem:s0+$0x4A90]  }
0x129: {  	v25 =	vld [tilespmem:s0+$0x4AA0]  }
0x12a: {  	v26 =	vld [tilespmem:s0+$0x4AB0]  }
0x12b: {  	v27 =	vld [tilespmem:s0+$0x4AC0]  }
0x12c: {  	v28 =	vld [tilespmem:s0+$0x4AD0]  }
0x12d: {  	v29 =	vld [tilespmem:s0+$0x4AE0]  }
0x12e: {  	v30 =	vld [tilespmem:s0+$0x4AF0]  }
0x12f: {  	v31 =	vld [tilespmem:s0+$0x4E80]  }
0x130: {  	v32 =	vld [tilespmem:s0+$0x4E90]  }
0x131: {  	v21 =	vld [tilespmem:s0+$0x4EA0]  }
0x132: {  	v22 =	vld [tilespmem:s0+$0x4EB0]  }
0x133: {  	v17 =	vld [tilespmem:s0+$0x4EC0]  }
0x134: {  	s30 =	simm.s32 $0x4900;
	s23 =	simm.s32 $0x2480;
	v18 =	vld [tilespmem:s0+$0x4ED0]  }
0x135: {  	s23 =	sand.u32 $0x380, s23;
	s2 =	sand.u32 $0xFFFFF800, s30;
	v19 =	vld [tilespmem:s0+$0x4EE0]  }
0x136: {  	s26 =	sor.u32 s23, s2;
	v20 =	vld [tilespmem:s0+$0x4EF0]  }
0x137: {  	v33 =	vld [tilespmem:s26+$0x280]  }
0x138: {  	v34 =	vld [tilespmem:s26+$0x290]  }
0x139: {  	v35 =	vld [tilespmem:s26+$0x2A0]  }
0x13a: {  	v36 =	vld [tilespmem:s26+$0x2B0]  }
0x13b: {  	v37 =	vld [tilespmem:s26+$0x2C0]  }
0x13c: {  	v38 =	vld [tilespmem:s26+$0x2D0];
	v1 =	vadd.f32 v23, v1;
	v2 =	vadd.f32 v24, v2  }
0x13d: {  	s31 =	ssub.s32 $0x0, s22;
	v63 =	vld [tilespmem:s26+$0x2F0];
	v3 =	vadd.f32 v25, v3;
	v4 =	vadd.f32 v26, v4  }
0x13e: {  	s23 =	sadd.s32 $0x1, s31;
	v25 =	vld [tilespmem:s26+$0x2E0];
	v5 =	vadd.f32 v27, v5;
	v6 =	vadd.f32 v28, v6  }
0x13f: {  	p2 =	seq.s32 s23, $0x0;
	v23 =	vld [tilespmem:s26+$0x680];
	v7 =	vadd.f32 v29, v7;
	v8 =	vadd.f32 v30, v8  }
.Ltmp15:
0x140: {  	v24 =	vld [tilespmem:s26+$0x690];
	v15 =	vadd.f32 v31, v15;
	v16 =	vadd.f32 v32, v16;
	(pc) =	sbr.rel @p2 .LBB2_22-.Ltmp15, $4  }
0x141: {  	v26 =	vld [tilespmem:s26+$0x6A0];
	v1 =	vadd.f32 v33, v1;
	v2 =	vadd.f32 v34, v2  }
0x142: {  	v27 =	vld [tilespmem:s26+$0x6B0];
	v3 =	vadd.f32 v35, v3;
	v4 =	vadd.f32 v36, v4  }
0x143: {  	v28 =	vld [tilespmem:s26+$0x6D0];
	v5 =	vadd.f32 v37, v5;
	v6 =	vadd.f32 v38, v6  }
0x144: {  	s24 =	simm.s32 $0x100;
	s25 =	simm.s32 $0x200;
	v8 =	vadd.f32 v63, v8;
	v7 =	vadd.f32 v25, v7;
	v25 =	vld [tilespmem:s26+$0x6C0]  }
.LBB2_21:
0x145: {  	s0 =	sand.u32 $0xFFFFF800, s25;
	s2 =	sand.u32 $0x300, s24;
	v14 =	vadd.f32 v21, v14;
	v13 =	vadd.f32 v22, v13;
	v21 =	vld [tilespmem:s26+$0x6E0]  }
0x146: {  	s0 =	sor.u32 s2, s0;
	v15 =	vadd.f32 v23, v15;
	v16 =	vadd.f32 v24, v16;
	v22 =	vld [tilespmem:s26+$0x6F0]  }
0x147: {  	v23 =	vld [tilespmem:s0+$0x4A80];
	v14 =	vadd.f32 v26, v14;
	v13 =	vadd.f32 v27, v13  }
0x148: {  	v12 =	vadd.f32 v17, v12;
	v11 =	vadd.f32 v18, v11;
	v24 =	vld [tilespmem:s0+$0x4A90]  }
0x149: {  	v10 =	vadd.f32 v19, v10;
	v9 =	vadd.f32 v20, v9;
	v26 =	vld [tilespmem:s0+$0x4AA0]  }
0x14a: {  	v12 =	vadd.f32 v25, v12;
	v11 =	vadd.f32 v28, v11;
	v27 =	vld [tilespmem:s0+$0x4AB0]  }
0x14b: {  	v10 =	vadd.f32 v21, v10;
	v25 =	vld [tilespmem:s0+$0x4AC0];
	v9 =	vadd.f32 v22, v9  }
0x14c: {  	v28 =	vld [tilespmem:s0+$0x4AD0]  }
0x14d: {  	v29 =	vld [tilespmem:s0+$0x4AE0]  }
0x14e: {  	v30 =	vld [tilespmem:s0+$0x4AF0]  }
0x14f: {  	v31 =	vld [tilespmem:s0+$0x4E80]  }
0x150: {  	v32 =	vld [tilespmem:s0+$0x4E90]  }
0x151: {  	v21 =	vld [tilespmem:s0+$0x4EA0]  }
0x152: {  	v22 =	vld [tilespmem:s0+$0x4EB0]  }
0x153: {  	v17 =	vld [tilespmem:s0+$0x4EC0]  }
0x154: {  	s2 =	sadd.s32 $0x4900, s25;
	s26 =	sadd.s32 $0x2480, s24;
	v18 =	vld [tilespmem:s0+$0x4ED0]  }
0x155: {  	s2 =	sand.u32 $0xFFFFF800, s2;
	s26 =	sand.u32 $0x380, s26;
	v19 =	vld [tilespmem:s0+$0x4EE0]  }
0x156: {  	s26 =	sor.u32 s26, s2;
	v20 =	vld [tilespmem:s0+$0x4EF0]  }
0x157: {  	v33 =	vld [tilespmem:s26+$0x280]  }
0x158: {  	v34 =	vld [tilespmem:s26+$0x290]  }
0x159: {  	v35 =	vld [tilespmem:s26+$0x2A0]  }
0x15a: {  	v36 =	vld [tilespmem:s26+$0x2B0]  }
0x15b: {  	v37 =	vld [tilespmem:s26+$0x2C0]  }
0x15c: {  	v1 =	vadd.f32 v23, v1;
	v2 =	vadd.f32 v24, v2;
	v38 =	vld [tilespmem:s26+$0x2D0]  }
0x15d: {  	v3 =	vadd.f32 v26, v3;
	v4 =	vadd.f32 v27, v4;
	v39 =	vld [tilespmem:s26+$0x2E0]  }
0x15e: {  	s23 =	sadd.s32 $0x1, s23;
	v1 =	vadd.f32 v33, v1;
	v2 =	vadd.f32 v34, v2;
	v33 =	vld [tilespmem:s26+$0x2F0]  }
0x15f: {  	p2 =	seq.s32 s23, $0x0;
	v3 =	vadd.f32 v35, v3;
	v4 =	vadd.f32 v36, v4;
	v23 =	vld [tilespmem:s26+$0x680]  }
.Ltmp16:
0x160: {  	v5 =	vadd.f32 v25, v5;
	v6 =	vadd.f32 v28, v6;
	v24 =	vld [tilespmem:s26+$0x690];
	(pc) =	sbr.rel @!p2 .LBB2_21-.Ltmp16, $4  }
0x161: {  	v7 =	vadd.f32 v29, v7;
	v8 =	vadd.f32 v30, v8;
	v26 =	vld [tilespmem:s26+$0x6A0]  }
0x162: {  	v5 =	vadd.f32 v37, v5;
	v6 =	vadd.f32 v38, v6;
	v27 =	vld [tilespmem:s26+$0x6B0]  }
0x163: {  	v7 =	vadd.f32 v39, v7;
	v8 =	vadd.f32 v33, v8;
	v25 =	vld [tilespmem:s26+$0x6C0]  }
0x164: {  	s24 =	sadd.s32 $0x100, s24;
	s25 =	sadd.s32 $0x200, s25;
	v15 =	vadd.f32 v31, v15;
	v16 =	vadd.f32 v32, v16;
	v28 =	vld [tilespmem:s26+$0x6D0]  }
.LBB2_22:
0x165: {  	v14 =	vadd.f32 v21, v14;
	v13 =	vadd.f32 v22, v13;
	v62 =	vld [tilespmem:s26+$0x6E0]  }
0x166: {  	v63 =	vld [tilespmem:s26+$0x6F0];
	v12 =	vadd.f32 v17, v12;
	v11 =	vadd.f32 v18, v11  }
0x167: {  	v10 =	vadd.f32 v19, v10;
	v9 =	vadd.f32 v20, v9  }
0x168: {  	v15 =	vadd.f32 v23, v15;
	v16 =	vadd.f32 v24, v16  }
0x169: {  	v14 =	vadd.f32 v26, v14;
	v13 =	vadd.f32 v27, v13  }
0x16a: {  	v12 =	vadd.f32 v25, v12;
	v11 =	vadd.f32 v28, v11  }
0x16b: {  	v10 =	vadd.f32 v62, v10;
	v9 =	vadd.f32 v63, v9  }
.LBB2_23:
0x16c: {  	s23 =	sshll.u32 s22, $0x1  }
0x16d: {  	s0 =	sadd.s32 $0x48, s23  }
0x16e: {  	p2 =	sge.u32 s0, s21  }
.Ltmp17:
0x16f: {  	_ = 	snop;
	(pc) =	sbr.rel @p2 .LBB2_30-.Ltmp17, $1  }
0x170: {  	_ =	sdelay $0x3  }
0x171: {  	s0 =	ssub.s32 s21, s23  }
0x172: {  	s0 =	sadd.s32 $0xFFFFFFB8, s0  }
0x173: {  	p3 =	sne.s32 s0, $0x1  }
.Ltmp18:
0x174: {  	_ = 	snop;
	(pc) =	sbr.rel @!p3 .LBB2_25-.Ltmp18, $4  }
0x175: {  	_ = 	snop  }
0x176: {  	s2 =	sshll.u32 s22, $0x9;
	s31 =	sshll.u32 s22, $0x8  }
0x177: {  	p2 =	por $0x0, $0x0;
	s22 =	sadd.s32 $0x4800, s2;
	s23 =	sadd.s32 $0x2400, s31  }
0x178: {  	s25 =	sand.u32 $0xFFFFF800, s22;
	s26 =	sand.u32 $0x380, s23;
	s24 =	sadd.s32 $0xFFFFFFFF, s0  }
0x179: {  	s21 =	sor.u32 s26, s25  }
0x17a: {  	v17 =	vld [tilespmem:s21+$0x6F0]  }
0x17b: {  	v18 =	vld [tilespmem:s21+$0x280]  }
0x17c: {  	v19 =	vld [tilespmem:s21+$0x290]  }
0x17d: {  	v20 =	vld [tilespmem:s21+$0x2A0]  }
0x17e: {  	v21 =	vld [tilespmem:s21+$0x2B0]  }
0x17f: {  	v22 =	vld [tilespmem:s21+$0x2C0]  }
0x180: {  	v26 =	vld [tilespmem:s21+$0x2D0]  }
0x181: {  	v27 =	vld [tilespmem:s21+$0x2E0]  }
0x182: {  	v28 =	vld [tilespmem:s21+$0x2F0]  }
0x183: {  	v29 =	vld [tilespmem:s21+$0x680]  }
0x184: {  	p3 =	sne.s32 s24, $0x1;
	v9 =	vadd.f32 v17, v9;
	v1 =	vadd.f32 v18, v1  }
.Ltmp19:
0x185: {  	v23 =	vld [tilespmem:s21+$0x690];
	v2 =	vadd.f32 v19, v2;
	v3 =	vadd.f32 v20, v3;
	(pc) =	sbr.rel @!p3 .LBB2_27-.Ltmp19, $4  }
0x186: {  	v24 =	vld [tilespmem:s21+$0x6A0];
	v4 =	vadd.f32 v21, v4;
	v5 =	vadd.f32 v22, v5  }
0x187: {  	v25 =	vld [tilespmem:s21+$0x6B0];
	v6 =	vadd.f32 v26, v6;
	v7 =	vadd.f32 v27, v7  }
0x188: {  	s22 =	sadd.s32 $0x100, s22;
	s23 =	sadd.s32 $0x80, s23;
	s24 =	sadd.s32 $0xFFFFFFFF, s24;
	v26 =	vld [tilespmem:s21+$0x6C0];
	v8 =	vadd.f32 v28, v8;
	v15 =	vadd.f32 v29, v15;
	v17 =	vmov v16  }
0x189: {  	p2 =	por $0x1, $0x1;
	s25 =	sand.u32 $0xFFFFF800, s22;
	s26 =	sand.u32 $0x380, s23;
	v27 =	vld [tilespmem:s21+$0x6D0];
	v18 =	vmovc v14;
	v19 =	vmovc v13;
	v20 =	vmov v12;
	v21 =	vmov v11;
	v22 =	vmov v10  }
.LBB2_28:
0x18a: {  	p3 =	sne.s32 s24, $0x1;
	v17 =	vadd.f32 v23, v17;
	v23 =	vld [tilespmem:s21+$0x6E0];
	s21 =	sor.u32 s26, s25  }
0x18b: {  	v18 =	vadd.f32 v24, v18;
	v28 =	vld [tilespmem:s21+$0x6F0]  }
0x18c: {  	v19 =	vadd.f32 v25, v19;
	v24 =	vld [tilespmem:s21+$0x280]  }
0x18d: {  	v20 =	vadd.f32 v26, v20;
	v25 =	vld [tilespmem:s21+$0x290]  }
0x18e: {  	v21 =	vadd.f32 v27, v21;
	v26 =	vld [tilespmem:s21+$0x2A0]  }
0x18f: {  	v27 =	vld [tilespmem:s21+$0x2B0];
	v22 =	vadd.f32 v23, v22  }
0x190: {  	v23 =	vld [tilespmem:s21+$0x2C0];
	v9 =	vadd.f32 v28, v9  }
0x191: {  	v1 =	vadd.f32 v24, v1;
	v24 =	vld [tilespmem:s21+$0x2D0]  }
0x192: {  	v2 =	vadd.f32 v25, v2;
	v25 =	vld [tilespmem:s21+$0x2E0]  }
0x193: {  	v3 =	vadd.f32 v26, v3;
	v26 =	vld [tilespmem:s21+$0x2F0]  }
0x194: {  	v4 =	vadd.f32 v27, v4;
	v27 =	vld [tilespmem:s21+$0x680]  }
.Ltmp20:
0x195: {  	v5 =	vadd.f32 v23, v5;
	v23 =	vld [tilespmem:s21+$0x690];
	(pc) =	sbr.rel @p3 .LBB2_28-.Ltmp20, $4  }
0x196: {  	v6 =	vadd.f32 v24, v6;
	v24 =	vld [tilespmem:s21+$0x6A0]  }
0x197: {  	v7 =	vadd.f32 v25, v7;
	v25 =	vld [tilespmem:s21+$0x6B0]  }
0x198: {  	s23 =	sadd.s32 $0x80, s23;
	s22 =	sadd.s32 $0x100, s22;
	v8 =	vadd.f32 v26, v8;
	v26 =	vld [tilespmem:s21+$0x6C0]  }
0x199: {  	s24 =	sadd.s32 $0xFFFFFFFF, s24;
	s25 =	sand.u32 $0xFFFFF800, s22;
	s26 =	sand.u32 $0x380, s23;
	v15 =	vadd.f32 v27, v15;
	v27 =	vld [tilespmem:s21+$0x6D0]  }
.Ltmp21:
0x19a: {  	_ = 	snop;
	(pc) =	sbr.rel .LBB2_29-.Ltmp21, $1  }
0x19b: {  	_ =	sdelay $0x3  }
.LBB2_3:
.Ltmp22:
0x19c: {  	(pc) =	sbr.rel .LBB2_9-.Ltmp22, $2  }
0x19d: {  	_ =	sdelay $0x2  }
0x19e: {  	s20 =	simm.s32 $0x0  }
.LBB2_5:
.Ltmp23:
0x19f: {  	(pc) =	sbr.rel .LBB2_9-.Ltmp23, $2  }
0x1a0: {  	_ =	sdelay $0x3  }
0x1a1: {  	s20 =	simm.s32 $0x0  }
.LBB2_7:
.Ltmp24:
0x1a2: {  	(pc) =	sbr.rel .LBB2_9-.Ltmp24, $2  }
0x1a3: {  	_ =	sdelay $0x2  }
0x1a4: {  	s20 =	simm.s32 $0x0  }
.LBB2_27:
.Ltmp25:
0x1a5: {  	(pc) =	sbr.rel .LBB2_29-.Ltmp25, $3  }
0x1a6: {  	_ =	sdelay $0x1  }
0x1a7: {  	v17 =	vmov v16  }
0x1a8: {  	v18 =	vmovc v14;
	v19 =	vmovc v13;
	v20 =	vmov v12;
	v21 =	vmov v11;
	v22 =	vmov v10  }
.LBB2_31:
0x1a9: {  	_ =	sfence.sel $0x180000  }
0x1aa: {  	[bflag:$0x0] =	sbarrier.arrive $0xFFFF  }
0x1ab: {  	_ =	strace $0x90000047  }
0x1ac: {  	[bflag:$0x2] =	sbarrier.arrive $0xFFFF  }
0x1ad: {  	s0 =	rddreg [dreg:$0x4]  }
0x1ae: {  	s0 =	sadd.s32 @!p0 $0x100000, s0  }
0x1af: {  	[sflag:s0] =	ssyncadd.tile.s32 @!p0 $0x1;
	_ =	shalt  }
.Lfunc_end2:
_tile_overlayer_lowered:
.L_overlay_start_2:
0x1b0: {  	(tag) =	ssettag $0x2  }
0x1b1: {  	s0 =	rddreg [dreg:$0x0];
	s2 =	stileid.u32  }
0x1b2: {  	s1 =	rddreg [dreg:$0x1];
	p0 =	sne.s32 s2, $0x0  }
0x1b3: {  	s3 =	rddreg [dreg:$0x2];
	[bflag:$0x3] =	sbarrier.arrive $0xFFFF;
	s2 =	simm.s32 @!p0 $0x1C03  }
0x1b4: {  	[timem:s3], [sflag:s2] =	dma.local @!p0 [hbm:s0], s1  }
0x1b5: {  	s0 =	simm.s32 @!p0 $0x3  }
0x1b6: {  	_ =	swait.ge @!p0 [sflag:s0], s1  }
0x1b7: {  	s1 =	ssub.s32 @!p0 $0x0, s1;
	[sflag:s0] =	ssyncset.done @!p0 $0x0  }
0x1b8: {  	[sflag:s0] =	ssyncadd.s32 @!p0 s1  }
0x1b9: {  	[bflag:$0x3] =	sbarrier.arrive $0xFFFF  }
0x1ba: {  	_ =	shalt  }

</sc_bundles>
